<compile_context>
chip_gen: v7x
topology: tpu7x:2x2x1
jax: 0.10.2.dev20260603
libtpu: 0.0.44.dev20260713+nightly
codegen_flags: <defaults>
</compile_context>

<pallas_src>
import functools

import jax
import jax.numpy as jnp
from jax import lax
from jax.experimental import pallas as pl
from jax.experimental.pallas import tpu as pltpu
from jax.experimental.pallas import tpu_sc as plsc

N = 10000
E = 320000
D = 128
NC = 2
NS = 16
NW = NC * NS
NP = 10240
RPT = NP // NS
EP = E // NW
C = 80
NCH = EP // C
NB = 16
RB = NP // NB

_sc_mesh = plsc.VectorSubcoreMesh(
    core_axis_name="c", subcore_axis_name="s", num_cores=NC, num_subcores=NS
)


def _deg_body(col2_hbm, deg0_hbm, deg1_hbm, acc, idx_a, ones_v, zero_v, isem):
    c = lax.axis_index("c")
    s = lax.axis_index("s")
    wid = c * NS + s

    pltpu.async_copy(col2_hbm.at[wid], idx_a, isem)

    @pl.loop(0, RPT // 16)
    def _zfill(i):
        zero_v[pl.ds(i * 16, 16)] = jnp.zeros((16,), jnp.float32)

    @pl.loop(0, C // 16)
    def _ofill(i):
        ones_v[pl.ds(i * 16, 16)] = jnp.ones((16,), jnp.float32)

    pltpu.sync_copy(zero_v, acc.at[pl.ds(s * RPT, RPT)])
    pltpu.make_async_copy(col2_hbm.at[wid], idx_a, isem).wait()
    plsc.subcore_barrier()

    @pl.loop(0, NCH)
    def _chunk(k):
        pltpu.sync_copy(ones_v, acc.at[idx_a.at[k]], add=True)

    plsc.subcore_barrier()

    @pl.when(c == 0)
    def _dump0():
        pltpu.sync_copy(acc.at[pl.ds(s * RPT, RPT)], deg0_hbm.at[pl.ds(s * RPT, RPT)])

    @pl.when(c == 1)
    def _dump1():
        pltpu.sync_copy(acc.at[pl.ds(s * RPT, RPT)], deg1_hbm.at[pl.ds(s * RPT, RPT)])


_deg_kernel = pl.kernel(
    _deg_body,
    out_type=[
        jax.ShapeDtypeStruct((NP,), jnp.float32),
        jax.ShapeDtypeStruct((NP,), jnp.float32),
    ],
    mesh=_sc_mesh,
    scratch_types=[
        pltpu.VMEM_SHARED((NP,), jnp.float32),
        pltpu.VMEM((NCH, C), jnp.int32),
        pltpu.VMEM((C,), jnp.float32),
        pltpu.VMEM((RPT,), jnp.float32),
        pltpu.SemaphoreType.DMA,
    ],
)


def _spmm_body(hs_hbm, eidx_hbm, z_hbm, p0_hbm, p1_hbm,
               acc, i0, i1, i2, i3, rows0, rows1,
               si0, si1, si2, si3, sg0, sg1):
    c = lax.axis_index("c")
    s = lax.axis_index("s")
    wid = c * NS + s

    idx = (i0, i1, i2, i3)
    isems = (si0, si1, si2, si3)
    rows = (rows0, rows1)
    gsems = (sg0, sg1)

    for j in (0, 1, 2, 3):
        pltpu.async_copy(eidx_hbm.at[wid, j], idx[j], isems[j])
    pltpu.sync_copy(z_hbm, acc.at[pl.ds(s * RPT, RPT)])
    for b in (0, 1):
        pltpu.make_async_copy(eidx_hbm.at[wid, b], idx[b], isems[b]).wait()
        pltpu.async_copy(hs_hbm.at[idx[b].at[0]], rows[b], gsems[b])
    plsc.subcore_barrier()

    @pl.loop(0, NCH - 1, step=4)
    def _chunk(k0):
        for u in (0, 1, 2, 3):
            k = k0 + u
            b = u % 2
            j = u % 4
            j2 = (u + 2) % 4
            pltpu.make_async_copy(hs_hbm.at[idx[j].at[0]], rows[b], gsems[b]).wait()
            pltpu.sync_copy(rows[b], acc.at[idx[j].at[1]], add=True)

            @pl.when(k + 4 < NCH)
            def _refill():
                pltpu.async_copy(eidx_hbm.at[wid, k + 4], idx[j], isems[j])

            @pl.when(k + 2 < NCH)
            def _launch():
                pltpu.make_async_copy(eidx_hbm.at[wid, k + 2], idx[j2], isems[j2]).wait()
                pltpu.async_copy(hs_hbm.at[idx[j2].at[0]], rows[b], gsems[b])

    kl = NCH - 1
    bl = kl % 2
    jl = kl % 4
    pltpu.make_async_copy(hs_hbm.at[idx[jl].at[0]], rows[bl], gsems[bl]).wait()
    pltpu.sync_copy(rows[bl], acc.at[idx[jl].at[1]], add=True)

    plsc.subcore_barrier()

    @pl.when(c == 0)
    def _dump0():
        pltpu.sync_copy(acc.at[pl.ds(s * RPT, RPT)], p0_hbm.at[pl.ds(s * RPT, RPT)])

    @pl.when(c == 1)
    def _dump1():
        pltpu.sync_copy(acc.at[pl.ds(s * RPT, RPT)], p1_hbm.at[pl.ds(s * RPT, RPT)])


_spmm_kernel = pl.kernel(
    _spmm_body,
    out_type=[
        jax.ShapeDtypeStruct((NP, D), jnp.float32),
        jax.ShapeDtypeStruct((NP, D), jnp.float32),
    ],
    mesh=_sc_mesh,
    scratch_types=[
        pltpu.VMEM_SHARED((NP, D), jnp.float32),
        pltpu.VMEM((2, C), jnp.int32),
        pltpu.VMEM((2, C), jnp.int32),
        pltpu.VMEM((2, C), jnp.int32),
        pltpu.VMEM((2, C), jnp.int32),
        pltpu.VMEM((C, D), jnp.float32),
        pltpu.VMEM((C, D), jnp.float32),
        pltpu.SemaphoreType.DMA,
        pltpu.SemaphoreType.DMA,
        pltpu.SemaphoreType.DMA,
        pltpu.SemaphoreType.DMA,
        pltpu.SemaphoreType.DMA,
        pltpu.SemaphoreType.DMA,
    ],
)


def _prep_body(d0_ref, d1_ref, x_ref, dinv_ref, hs0_ref):
    deg = d0_ref[...] + d1_ref[...] + 1.0
    dinv = lax.rsqrt(deg)
    dinv_ref[...] = dinv
    hs0_ref[...] = dinv * x_ref[...]


_prep_kernel = pl.pallas_call(
    _prep_body,
    grid=(NB,),
    in_specs=[
        pl.BlockSpec((RB, 1), lambda i: (i, 0)),
        pl.BlockSpec((RB, 1), lambda i: (i, 0)),
        pl.BlockSpec((RB, D), lambda i: (i, 0)),
    ],
    out_specs=[
        pl.BlockSpec((RB, 1), lambda i: (i, 0)),
        pl.BlockSpec((RB, D), lambda i: (i, 0)),
    ],
    out_shape=[
        jax.ShapeDtypeStruct((NP, 1), jnp.float32),
        jax.ShapeDtypeStruct((NP, D), jnp.float32),
    ],
)


def _mid_body(dinv_ref, p0_ref, p1_ref, hs0_ref, h1_ref, hs1_ref):
    agg = p0_ref[...] + p1_ref[...] + hs0_ref[...]
    dinv = dinv_ref[...]
    h1 = dinv * agg
    h1_ref[...] = h1
    hs1_ref[...] = dinv * h1


_mid_kernel = pl.pallas_call(
    _mid_body,
    grid=(NB,),
    in_specs=[
        pl.BlockSpec((RB, 1), lambda i: (i, 0)),
        pl.BlockSpec((RB, D), lambda i: (i, 0)),
        pl.BlockSpec((RB, D), lambda i: (i, 0)),
        pl.BlockSpec((RB, D), lambda i: (i, 0)),
    ],
    out_specs=[
        pl.BlockSpec((RB, D), lambda i: (i, 0)),
        pl.BlockSpec((RB, D), lambda i: (i, 0)),
    ],
    out_shape=[
        jax.ShapeDtypeStruct((NP, D), jnp.float32),
        jax.ShapeDtypeStruct((NP, D), jnp.float32),
    ],
)


def _out_body(x_ref, h1_ref, q0_ref, q1_ref, hs1_ref, dinv_ref,
              w0_ref, w1_ref, w2_ref, b_ref, o_ref):
    h2 = dinv_ref[...] * (q0_ref[...] + q1_ref[...] + hs1_ref[...])
    acc = jnp.dot(x_ref[...], w0_ref[...], preferred_element_type=jnp.float32)
    acc = acc + jnp.dot(h1_ref[...], w1_ref[...], preferred_element_type=jnp.float32)
    acc = acc + jnp.dot(h2, w2_ref[...], preferred_element_type=jnp.float32)
    o_ref[...] = acc + b_ref[...]


_out_kernel = pl.pallas_call(
    _out_body,
    grid=(NB,),
    in_specs=[
        pl.BlockSpec((RB, D), lambda i: (i, 0)),
        pl.BlockSpec((RB, D), lambda i: (i, 0)),
        pl.BlockSpec((RB, D), lambda i: (i, 0)),
        pl.BlockSpec((RB, D), lambda i: (i, 0)),
        pl.BlockSpec((RB, D), lambda i: (i, 0)),
        pl.BlockSpec((RB, 1), lambda i: (i, 0)),
        pl.BlockSpec((D, D), lambda i: (0, 0)),
        pl.BlockSpec((D, D), lambda i: (0, 0)),
        pl.BlockSpec((D, D), lambda i: (0, 0)),
        pl.BlockSpec((1, D), lambda i: (0, 0)),
    ],
    out_specs=pl.BlockSpec((RB, D), lambda i: (i, 0)),
    out_shape=jax.ShapeDtypeStruct((NP, D), jnp.float32),
)


@jax.jit
def kernel(x, edge_index, W, b):
    col2 = edge_index[1].reshape(NW, NCH, C)
    eidx = edge_index.reshape(2, NW, NCH, C).transpose(1, 2, 0, 3)
    xp = jnp.pad(x, ((0, NP - N), (0, 0)))
    zrows = jnp.zeros((RPT, D), jnp.float32)

    d0, d1 = _deg_kernel(col2)
    dinv, hs0 = _prep_kernel(d0.reshape(NP, 1), d1.reshape(NP, 1), xp)
    p0, p1 = _spmm_kernel(hs0, eidx, zrows)
    h1, hs1 = _mid_kernel(dinv, p0, p1, hs0)
    q0, q1 = _spmm_kernel(hs1, eidx, zrows)
    Wt = W.T
    out = _out_kernel(xp, h1, q0, q1, hs1, dinv,
                      Wt[:D], Wt[D:2 * D], Wt[2 * D:], b.reshape(1, D))
    return out[:N]

# --- scband reference (transcript-rebuilt; emitter-appended) ---
"""Pipeline reference for scband-tagconv-50783693308333 (READ-ONLY COPY).

The authoritative reference and input builder live on the scoring server;
editing this copy changes nothing except your own understanding.
"""

import jax, jax.numpy as jnp
import numpy as np

N = 10000
E = 320000
D = 128
OUT = 128
K = 2


def setup_inputs(seed: int = 0) -> dict:
    key = jax.random.key(seed)
    k1, k2, k3 = jax.random.split(key, 3)
    x = jax.random.normal(k1, (N, D), dtype=jnp.float32)
    edge_index = jax.random.randint(k2, (2, E), 0, N, dtype=jnp.int32)
    fan_in = D * (K + 1)
    fan_out = OUT
    limit = float(np.sqrt(6.0 / (fan_in + fan_out)))
    W = jax.random.uniform(k3, (OUT, fan_in), dtype=jnp.float32, minval=-limit, maxval=limit)
    b = jnp.zeros((OUT,), dtype=jnp.float32)
    return {"x": x, "edge_index": edge_index, "W": W, "b": b}


def _gcn_norm(edge_index, num_nodes):
    # add self loops, edge_weight = ones, symmetric normalization
    row = edge_index[0]
    col = edge_index[1]
    loop = jnp.arange(num_nodes, dtype=row.dtype)
    row = jnp.concatenate([row, loop])
    col = jnp.concatenate([col, loop])
    w = jnp.ones(row.shape[0], dtype=jnp.float32)
    deg = jnp.zeros((num_nodes,), dtype=jnp.float32).at[col].add(w)
    deg_inv_sqrt = jnp.where(deg > 0, jax.lax.rsqrt(jnp.maximum(deg, 1e-12)), 0.0)
    norm = deg_inv_sqrt[row] * w * deg_inv_sqrt[col]
    return row, col, norm


def reference(x, edge_index, W, b):
    num_nodes = x.shape[0]
    row, col, norm = _gcn_norm(edge_index, num_nodes)
    xs = [x]
    h = x
    for _ in range(K):
        # spmm: out[dst] += norm * h[src]
        msg = norm[:, None] * jnp.take(h, row, axis=0)
        h = jnp.zeros((num_nodes, h.shape[1]), dtype=h.dtype).at[col].add(msg)
        xs.append(h)
    xs_cat = jnp.concatenate(xs, axis=-1)
    return xs_cat @ W.T + b

if __name__ == "__main__":
    import jax
    _d = setup_inputs()
    print(jax.jit(kernel)(*tuple(_d.values())))

</pallas_src>

<mosaic_0001>
#map = affine_map<(d0, d1) -> (0, 0, 0)>
#map1 = affine_map<(d0, d1) -> (0)>
module attributes {stable_mosaic.version = 14 : i64} {
  func.func @_deg_body(%arg0: i32, %arg1: i32, %arg2: memref<32x125x80xi32, #tpu.memory_space<hbm>>, %arg3: memref<10240xf32, #tpu.memory_space<hbm>>, %arg4: memref<10240xf32, #tpu.memory_space<hbm>>, %arg5: memref<10240xf32, #tpu.memory_space<vmem_shared>>, %arg6: memref<125x80xi32, #tpu.memory_space<vmem>>, %arg7: memref<80xf32, #tpu.memory_space<vmem>>, %arg8: memref<640xf32, #tpu.memory_space<vmem>>, %arg9: memref<!tpu.dma_semaphore, #tpu.memory_space<semaphore_mem>>) attributes {dimension_semantics = [#tpu.dimension_semantics<core_parallel>, #tpu.dimension_semantics<subcore_parallel>], iteration_bounds = array<i64: 2, 16>, scalar_prefetch = 0 : i64, scratch_operands = 5 : i64, tpu.core_type = #tpu.core_type<sc_vector_subcore>, window_params = [{transform_indices = #map}, {transform_indices = #map1}, {transform_indices = #map1}]} {
    %mul3A = arith.constant 16 : i32
    %mul3A_0 = arith.muli %arg0, %mul3A : i32
    %add3A = arith.addi %mul3A_0, %arg1 : i32
    %dma_start3A = arith.constant 0 : i32
    %dma_start3A_1 = arith.constant 0 : i32
    %dma_start3A_2 = tpu.memref_slice %arg2[%add3A, %dma_start3A, %dma_start3A_1] : memref<32x125x80xi32, #tpu.memory_space<hbm>> -> memref<1x125x80xi32, #tpu.memory_space<hbm>>
    %dma_start3A_3 = tpu.memref_squeeze %dma_start3A_2 : memref<1x125x80xi32, #tpu.memory_space<hbm>> -> memref<125x80xi32, #tpu.memory_space<hbm>>
    %dma_start3A_4 = arith.constant 0 : i32
    %dma_start3A_5 = arith.constant 0 : i32
    %dma_start3A_6 = tpu.memref_slice %arg2[%add3A, %dma_start3A_4, %dma_start3A_5] : memref<32x125x80xi32, #tpu.memory_space<hbm>> -> memref<1x125x80xi32, #tpu.memory_space<hbm>>
    %dma_start3A_7 = tpu.memref_squeeze %dma_start3A_6 : memref<1x125x80xi32, #tpu.memory_space<hbm>> -> memref<125x80xi32, #tpu.memory_space<hbm>>
    tpu.enqueue_dma source(%dma_start3A_7 : memref<125x80xi32, #tpu.memory_space<hbm>>) target(%arg6 : memref<125x80xi32, #tpu.memory_space<vmem>>) target_semaphore(%arg9 : memref<!tpu.dma_semaphore, #tpu.memory_space<semaphore_mem>>)
    %scan3A = arith.constant 0 : i32
    %scan3A_8 = arith.constant 40 : i32
    %scan3A_9 = arith.addi %scan3A, %scan3A_8 : i32
    %scan3A_10 = arith.constant 1 : i32
    scf.for %scan3A_39 = %scan3A to %scan3A_9 step %scan3A_10  : i32 {
      %mul3A_40 = arith.constant 1 : i32
      %mul3A_41 = arith.muli %scan3A_39, %mul3A_40 : i32
      %add3A_42 = arith.constant 0 : i32
      %add3A_43 = arith.addi %add3A_42, %mul3A_41 : i32
      %broadcast_in_dim3A = arith.constant 0.000000e+00 : f32
      %broadcast_in_dim3A_44 = vector.broadcast %broadcast_in_dim3A : f32 to vector<16xf32>
      %mul3A_45 = arith.constant 16 : i32
      %mul3A_46 = arith.muli %add3A_43, %mul3A_45 : i32
      %swap3A = arith.index_cast %mul3A_46 : i32 to index
      %swap3A_47 = tpu.vector_load %arg8[%swap3A] {strides = array<i32>} : memref<640xf32, #tpu.memory_space<vmem>>, vector<16xf32>,
      %swap3A_48 = vector.shape_cast %swap3A_47 : vector<16xf32> to vector<16xf32>
      %swap3A_49 = vector.shape_cast %broadcast_in_dim3A_44 : vector<16xf32> to vector<16xf32>
      tpu.vector_store %arg8[%swap3A], %swap3A_49 {strides = array<i32>} : memref<640xf32, #tpu.memory_space<vmem>>, vector<16xf32>,
    }
    %scan3A_11 = arith.constant 40 : i32
    %scan3A_12 = arith.constant 0 : i32
    %scan3A_13 = arith.constant 5 : i32
    %scan3A_14 = arith.addi %scan3A_12, %scan3A_13 : i32
    %scan3A_15 = arith.constant 1 : i32
    scf.for %scan3A_39 = %scan3A_12 to %scan3A_14 step %scan3A_15  : i32 {
      %mul3A_40 = arith.constant 1 : i32
      %mul3A_41 = arith.muli %scan3A_39, %mul3A_40 : i32
      %add3A_42 = arith.constant 0 : i32
      %add3A_43 = arith.addi %add3A_42, %mul3A_41 : i32
      %broadcast_in_dim3A = arith.constant 1.000000e+00 : f32
      %broadcast_in_dim3A_44 = vector.broadcast %broadcast_in_dim3A : f32 to vector<16xf32>
      %mul3A_45 = arith.constant 16 : i32
      %mul3A_46 = arith.muli %add3A_43, %mul3A_45 : i32
      %swap3A = arith.index_cast %mul3A_46 : i32 to index
      %swap3A_47 = tpu.vector_load %arg7[%swap3A] {strides = array<i32>} : memref<80xf32, #tpu.memory_space<vmem>>, vector<16xf32>,
      %swap3A_48 = vector.shape_cast %swap3A_47 : vector<16xf32> to vector<16xf32>
      %swap3A_49 = vector.shape_cast %broadcast_in_dim3A_44 : vector<16xf32> to vector<16xf32>
      tpu.vector_store %arg7[%swap3A], %swap3A_49 {strides = array<i32>} : memref<80xf32, #tpu.memory_space<vmem>>, vector<16xf32>,
    }
    %scan3A_16 = arith.constant 5 : i32
    %mul3A_17 = arith.constant 640 : i32
    %mul3A_18 = arith.muli %arg1, %mul3A_17 : i32
    "tpu.region"() ({
      %run_scoped3A = tpu.sem_alloc : memref<!tpu.dma_semaphore, #tpu.memory_space<semaphore_mem>>
      %dma_start3A_39 = tpu.memref_slice %arg5[%mul3A_18] : memref<10240xf32, #tpu.memory_space<vmem_shared>> -> memref<640xf32, #tpu.memory_space<vmem_shared>>
      %dma_start3A_40 = tpu.memref_slice %arg5[%mul3A_18] : memref<10240xf32, #tpu.memory_space<vmem_shared>> -> memref<640xf32, #tpu.memory_space<vmem_shared>>
      tpu.enqueue_dma source(%arg8 : memref<640xf32, #tpu.memory_space<vmem>>) target(%dma_start3A_40 : memref<640xf32, #tpu.memory_space<vmem_shared>>) target_semaphore(%run_scoped3A : memref<!tpu.dma_semaphore, #tpu.memory_space<semaphore_mem>>)
      %dma_wait3A_41 = tpu.memref_slice %arg5[%mul3A_18] : memref<10240xf32, #tpu.memory_space<vmem_shared>> -> memref<640xf32, #tpu.memory_space<vmem_shared>>
      %dma_wait3A_42 = tpu.memref_slice %arg5[%mul3A_18] : memref<10240xf32, #tpu.memory_space<vmem_shared>> -> memref<640xf32, #tpu.memory_space<vmem_shared>>
      tpu.wait_dma2 semaphore(%run_scoped3A : memref<!tpu.dma_semaphore, #tpu.memory_space<semaphore_mem>>) src(%arg8 : memref<640xf32, #tpu.memory_space<vmem>>) dst(%dma_wait3A_42 : memref<640xf32, #tpu.memory_space<vmem_shared>>)
      tpu.yield
    }) : () -> ()
    %dma_wait3A = arith.constant 0 : i32
    %dma_wait3A_19 = arith.constant 0 : i32
    %dma_wait3A_20 = tpu.memref_slice %arg2[%add3A, %dma_wait3A, %dma_wait3A_19] : memref<32x125x80xi32, #tpu.memory_space<hbm>> -> memref<1x125x80xi32, #tpu.memory_space<hbm>>
    %dma_wait3A_21 = tpu.memref_squeeze %dma_wait3A_20 : memref<1x125x80xi32, #tpu.memory_space<hbm>> -> memref<125x80xi32, #tpu.memory_space<hbm>>
    %dma_wait3A_22 = arith.constant 0 : i32
    %dma_wait3A_23 = arith.constant 0 : i32
    %dma_wait3A_24 = tpu.memref_slice %arg2[%add3A, %dma_wait3A_22, %dma_wait3A_23] : memref<32x125x80xi32, #tpu.memory_space<hbm>> -> memref<1x125x80xi32, #tpu.memory_space<hbm>>
    %dma_wait3A_25 = tpu.memref_squeeze %dma_wait3A_24 : memref<1x125x80xi32, #tpu.memory_space<hbm>> -> memref<125x80xi32, #tpu.memory_space<hbm>>
    tpu.wait_dma2 semaphore(%arg9 : memref<!tpu.dma_semaphore, #tpu.memory_space<semaphore_mem>>) src(%dma_wait3A_25 : memref<125x80xi32, #tpu.memory_space<hbm>>) dst(%arg6 : memref<125x80xi32, #tpu.memory_space<vmem>>)
    %barrier3A = arith.constant 0 : index
    tpu.barrier barrier_id(%barrier3A)
    %scan3A_26 = arith.constant 0 : i32
    %scan3A_27 = arith.constant 125 : i32
    %scan3A_28 = arith.addi %scan3A_26, %scan3A_27 : i32
    %scan3A_29 = arith.constant 1 : i32
    scf.for %scan3A_39 = %scan3A_26 to %scan3A_28 step %scan3A_29  : i32 {
      %mul3A_40 = arith.constant 1 : i32
      %mul3A_41 = arith.muli %scan3A_39, %mul3A_40 : i32
      %add3A_42 = arith.constant 0 : i32
      %add3A_43 = arith.addi %add3A_42, %mul3A_41 : i32
      "tpu.region"() ({
        %run_scoped3A = tpu.sem_alloc : memref<!tpu.dma_semaphore, #tpu.memory_space<semaphore_mem>>
        %dma_start3A_44 = arith.constant 0 : i32
        %dma_start3A_45 = tpu.memref_slice %arg6[%add3A_43, %dma_start3A_44] : memref<125x80xi32, #tpu.memory_space<vmem>> -> memref<1x80xi32, #tpu.memory_space<vmem>>
        %dma_start3A_46 = tpu.memref_squeeze %dma_start3A_45 : memref<1x80xi32, #tpu.memory_space<vmem>> -> memref<80xi32, #tpu.memory_space<vmem>>
        %dma_start3A_47 = arith.constant 0 : i32
        %dma_start3A_48 = tpu.memref_slice %arg5[%dma_start3A_47] : memref<10240xf32, #tpu.memory_space<vmem_shared>> -> memref<10240xf32, #tpu.memory_space<vmem_shared>>
        tpu.enqueue_indirect_dma source(%arg7 : memref<80xf32, #tpu.memory_space<vmem>>) target(%dma_start3A_48 : memref<10240xf32, #tpu.memory_space<vmem_shared>>) offsets(%dma_start3A_46 : memref<80xi32, #tpu.memory_space<vmem>>) semaphore(%run_scoped3A : memref<!tpu.dma_semaphore, #tpu.memory_space<semaphore_mem>>) {add = true}
        %dma_wait3A_49 = arith.constant 0 : i32
        %dma_wait3A_50 = tpu.memref_slice %arg6[%add3A_43, %dma_wait3A_49] : memref<125x80xi32, #tpu.memory_space<vmem>> -> memref<1x80xi32, #tpu.memory_space<vmem>>
        %dma_wait3A_51 = tpu.memref_squeeze %dma_wait3A_50 : memref<1x80xi32, #tpu.memory_space<vmem>> -> memref<80xi32, #tpu.memory_space<vmem>>
        %dma_wait3A_52 = arith.constant 0 : i32
        %dma_wait3A_53 = tpu.memref_slice %arg5[%dma_wait3A_52] : memref<10240xf32, #tpu.memory_space<vmem_shared>> -> memref<10240xf32, #tpu.memory_space<vmem_shared>>
        tpu.wait_indirect_dma semaphore(%run_scoped3A : memref<!tpu.dma_semaphore, #tpu.memory_space<semaphore_mem>>) src(%arg7 : memref<80xf32, #tpu.memory_space<vmem>>) dst(%dma_wait3A_53 : memref<10240xf32, #tpu.memory_space<vmem_shared>>)
        tpu.yield
      }) : () -> ()
    }
    %scan3A_30 = arith.constant 125 : i32
    %barrier3A_31 = arith.constant 0 : index
    tpu.barrier barrier_id(%barrier3A_31)
    %eq3A = arith.constant 0 : i32
    %eq3A_32 = arith.cmpi eq, %arg0, %eq3A : i32
    %convert_element_type3A = arith.extui %eq3A_32 : i1 to i32
    %cond3A = arith.constant 0 : i32
    %cond3A_33 = arith.cmpi ne, %convert_element_type3A, %cond3A : i32
    scf.if %cond3A_33 {
      %mul3A_39 = arith.constant 640 : i32
      %mul3A_40 = arith.muli %arg1, %mul3A_39 : i32
      %mul3A_41 = arith.constant 640 : i32
      %mul3A_42 = arith.muli %arg1, %mul3A_41 : i32
      "tpu.region"() ({
        %run_scoped3A = tpu.sem_alloc : memref<!tpu.dma_semaphore, #tpu.memory_space<semaphore_mem>>
        %dma_start3A_43 = tpu.memref_slice %arg3[%mul3A_42] : memref<10240xf32, #tpu.memory_space<hbm>> -> memref<640xf32, #tpu.memory_space<hbm>>
        %dma_start3A_44 = tpu.memref_slice %arg5[%mul3A_40] : memref<10240xf32, #tpu.memory_space<vmem_shared>> -> memref<640xf32, #tpu.memory_space<vmem_shared>>
        tpu.enqueue_dma source(%dma_start3A_44 : memref<640xf32, #tpu.memory_space<vmem_shared>>) target(%dma_start3A_43 : memref<640xf32, #tpu.memory_space<hbm>>) target_semaphore(%run_scoped3A : memref<!tpu.dma_semaphore, #tpu.memory_space<semaphore_mem>>)
        %dma_wait3A_45 = tpu.memref_slice %arg3[%mul3A_42] : memref<10240xf32, #tpu.memory_space<hbm>> -> memref<640xf32, #tpu.memory_space<hbm>>
        %dma_wait3A_46 = tpu.memref_slice %arg5[%mul3A_40] : memref<10240xf32, #tpu.memory_space<vmem_shared>> -> memref<640xf32, #tpu.memory_space<vmem_shared>>
        tpu.wait_dma2 semaphore(%run_scoped3A : memref<!tpu.dma_semaphore, #tpu.memory_space<semaphore_mem>>) src(%dma_wait3A_46 : memref<640xf32, #tpu.memory_space<vmem_shared>>) dst(%dma_wait3A_45 : memref<640xf32, #tpu.memory_space<hbm>>)
        tpu.yield
      }) : () -> ()
    } else {
    }
    %eq3A_34 = arith.constant 1 : i32
    %eq3A_35 = arith.cmpi eq, %arg0, %eq3A_34 : i32
    %convert_element_type3A_36 = arith.extui %eq3A_35 : i1 to i32
    %cond3A_37 = arith.constant 0 : i32
    %cond3A_38 = arith.cmpi ne, %convert_element_type3A_36, %cond3A_37 : i32
    scf.if %cond3A_38 {
      %mul3A_39 = arith.constant 640 : i32
      %mul3A_40 = arith.muli %arg1, %mul3A_39 : i32
      %mul3A_41 = arith.constant 640 : i32
      %mul3A_42 = arith.muli %arg1, %mul3A_41 : i32
      "tpu.region"() ({
        %run_scoped3A = tpu.sem_alloc : memref<!tpu.dma_semaphore, #tpu.memory_space<semaphore_mem>>
        %dma_start3A_43 = tpu.memref_slice %arg4[%mul3A_42] : memref<10240xf32, #tpu.memory_space<hbm>> -> memref<640xf32, #tpu.memory_space<hbm>>
        %dma_start3A_44 = tpu.memref_slice %arg5[%mul3A_40] : memref<10240xf32, #tpu.memory_space<vmem_shared>> -> memref<640xf32, #tpu.memory_space<vmem_shared>>
        tpu.enqueue_dma source(%dma_start3A_44 : memref<640xf32, #tpu.memory_space<vmem_shared>>) target(%dma_start3A_43 : memref<640xf32, #tpu.memory_space<hbm>>) target_semaphore(%run_scoped3A : memref<!tpu.dma_semaphore, #tpu.memory_space<semaphore_mem>>)
        %dma_wait3A_45 = tpu.memref_slice %arg4[%mul3A_42] : memref<10240xf32, #tpu.memory_space<hbm>> -> memref<640xf32, #tpu.memory_space<hbm>>
        %dma_wait3A_46 = tpu.memref_slice %arg5[%mul3A_40] : memref<10240xf32, #tpu.memory_space<vmem_shared>> -> memref<640xf32, #tpu.memory_space<vmem_shared>>
        tpu.wait_dma2 semaphore(%run_scoped3A : memref<!tpu.dma_semaphore, #tpu.memory_space<semaphore_mem>>) src(%dma_wait3A_46 : memref<640xf32, #tpu.memory_space<vmem_shared>>) dst(%dma_wait3A_45 : memref<640xf32, #tpu.memory_space<hbm>>)
        tpu.yield
      }) : () -> ()
    } else {
    }
    return
  }
}

#map = affine_map<(d0, d1) -> (0, 0)>
#map1 = affine_map<(d0, d1) -> (0, 0, 0, 0)>
module attributes {stable_mosaic.version = 14 : i64} {
  func.func @_spmm_body(%arg0: i32, %arg1: i32, %arg2: memref<10240x128xf32, #tpu.memory_space<hbm>>, %arg3: memref<32x125x2x80xi32, #tpu.memory_space<hbm>>, %arg4: memref<640x128xf32, #tpu.memory_space<hbm>>, %arg5: memref<10240x128xf32, #tpu.memory_space<hbm>>, %arg6: memref<10240x128xf32, #tpu.memory_space<hbm>>, %arg7: memref<10240x128xf32, #tpu.memory_space<vmem_shared>>, %arg8: memref<2x80xi32, #tpu.memory_space<vmem>>, %arg9: memref<2x80xi32, #tpu.memory_space<vmem>>, %arg10: memref<2x80xi32, #tpu.memory_space<vmem>>, %arg11: memref<2x80xi32, #tpu.memory_space<vmem>>, %arg12: memref<80x128xf32, #tpu.memory_space<vmem>>, %arg13: memref<80x128xf32, #tpu.memory_space<vmem>>, %arg14: memref<!tpu.dma_semaphore, #tpu.memory_space<semaphore_mem>>, %arg15: memref<!tpu.dma_semaphore, #tpu.memory_space<semaphore_mem>>, %arg16: memref<!tpu.dma_semaphore, #tpu.memory_space<semaphore_mem>>, %arg17: memref<!tpu.dma_semaphore, #tpu.memory_space<semaphore_mem>>, %arg18: memref<!tpu.dma_semaphore, #tpu.memory_space<semaphore_mem>>, %arg19: memref<!tpu.dma_semaphore, #tpu.memory_space<semaphore_mem>>) attributes {dimension_semantics = [#tpu.dimension_semantics<core_parallel>, #tpu.dimension_semantics<subcore_parallel>], iteration_bounds = array<i64: 2, 16>, scalar_prefetch = 0 : i64, scratch_operands = 13 : i64, tpu.core_type = #tpu.core_type<sc_vector_subcore>, window_params = [{transform_indices = #map}, {transform_indices = #map1}, {transform_indices = #map}, {transform_indices = #map}, {transform_indices = #map}]} {
    %mul3A = arith.constant 16 : i32
    %mul3A_0 = arith.muli %arg0, %mul3A : i32
    %add3A = arith.addi %mul3A_0, %arg1 : i32
    %dma_start3A = arith.constant 0 : i32
    %dma_start3A_1 = arith.constant 0 : i32
    %dma_start3A_2 = arith.constant 0 : i32
    %dma_start3A_3 = tpu.memref_slice %arg3[%add3A, %dma_start3A, %dma_start3A_1, %dma_start3A_2] : memref<32x125x2x80xi32, #tpu.memory_space<hbm>> -> memref<1x1x2x80xi32, #tpu.memory_space<hbm>>
    %dma_start3A_4 = tpu.memref_squeeze %dma_start3A_3 : memref<1x1x2x80xi32, #tpu.memory_space<hbm>> -> memref<2x80xi32, #tpu.memory_space<hbm>>
    %dma_start3A_5 = arith.constant 0 : i32
    %dma_start3A_6 = arith.constant 0 : i32
    %dma_start3A_7 = tpu.memref_slice %arg3[%add3A, %dma_start3A, %dma_start3A_5, %dma_start3A_6] : memref<32x125x2x80xi32, #tpu.memory_space<hbm>> -> memref<1x1x2x80xi32, #tpu.memory_space<hbm>>
    %dma_start3A_8 = tpu.memref_squeeze %dma_start3A_7 : memref<1x1x2x80xi32, #tpu.memory_space<hbm>> -> memref<2x80xi32, #tpu.memory_space<hbm>>
    tpu.enqueue_dma source(%dma_start3A_8 : memref<2x80xi32, #tpu.memory_space<hbm>>) target(%arg8 : memref<2x80xi32, #tpu.memory_space<vmem>>) target_semaphore(%arg14 : memref<!tpu.dma_semaphore, #tpu.memory_space<semaphore_mem>>)
    %dma_start3A_9 = arith.constant 1 : i32
    %dma_start3A_10 = arith.constant 0 : i32
    %dma_start3A_11 = arith.constant 0 : i32
    %dma_start3A_12 = tpu.memref_slice %arg3[%add3A, %dma_start3A_9, %dma_start3A_10, %dma_start3A_11] : memref<32x125x2x80xi32, #tpu.memory_space<hbm>> -> memref<1x1x2x80xi32, #tpu.memory_space<hbm>>
    %dma_start3A_13 = tpu.memref_squeeze %dma_start3A_12 : memref<1x1x2x80xi32, #tpu.memory_space<hbm>> -> memref<2x80xi32, #tpu.memory_space<hbm>>
    %dma_start3A_14 = arith.constant 0 : i32
    %dma_start3A_15 = arith.constant 0 : i32
    %dma_start3A_16 = tpu.memref_slice %arg3[%add3A, %dma_start3A_9, %dma_start3A_14, %dma_start3A_15] : memref<32x125x2x80xi32, #tpu.memory_space<hbm>> -> memref<1x1x2x80xi32, #tpu.memory_space<hbm>>
    %dma_start3A_17 = tpu.memref_squeeze %dma_start3A_16 : memref<1x1x2x80xi32, #tpu.memory_space<hbm>> -> memref<2x80xi32, #tpu.memory_space<hbm>>
    tpu.enqueue_dma source(%dma_start3A_17 : memref<2x80xi32, #tpu.memory_space<hbm>>) target(%arg9 : memref<2x80xi32, #tpu.memory_space<vmem>>) target_semaphore(%arg15 : memref<!tpu.dma_semaphore, #tpu.memory_space<semaphore_mem>>)
    %dma_start3A_18 = arith.constant 2 : i32
    %dma_start3A_19 = arith.constant 0 : i32
    %dma_start3A_20 = arith.constant 0 : i32
    %dma_start3A_21 = tpu.memref_slice %arg3[%add3A, %dma_start3A_18, %dma_start3A_19, %dma_start3A_20] : memref<32x125x2x80xi32, #tpu.memory_space<hbm>> -> memref<1x1x2x80xi32, #tpu.memory_space<hbm>>
    %dma_start3A_22 = tpu.memref_squeeze %dma_start3A_21 : memref<1x1x2x80xi32, #tpu.memory_space<hbm>> -> memref<2x80xi32, #tpu.memory_space<hbm>>
    %dma_start3A_23 = arith.constant 0 : i32
    %dma_start3A_24 = arith.constant 0 : i32
    %dma_start3A_25 = tpu.memref_slice %arg3[%add3A, %dma_start3A_18, %dma_start3A_23, %dma_start3A_24] : memref<32x125x2x80xi32, #tpu.memory_space<hbm>> -> memref<1x1x2x80xi32, #tpu.memory_space<hbm>>
    %dma_start3A_26 = tpu.memref_squeeze %dma_start3A_25 : memref<1x1x2x80xi32, #tpu.memory_space<hbm>> -> memref<2x80xi32, #tpu.memory_space<hbm>>
    tpu.enqueue_dma source(%dma_start3A_26 : memref<2x80xi32, #tpu.memory_space<hbm>>) target(%arg10 : memref<2x80xi32, #tpu.memory_space<vmem>>) target_semaphore(%arg16 : memref<!tpu.dma_semaphore, #tpu.memory_space<semaphore_mem>>)
    %dma_start3A_27 = arith.constant 3 : i32
    %dma_start3A_28 = arith.constant 0 : i32
    %dma_start3A_29 = arith.constant 0 : i32
    %dma_start3A_30 = tpu.memref_slice %arg3[%add3A, %dma_start3A_27, %dma_start3A_28, %dma_start3A_29] : memref<32x125x2x80xi32, #tpu.memory_space<hbm>> -> memref<1x1x2x80xi32, #tpu.memory_space<hbm>>
    %dma_start3A_31 = tpu.memref_squeeze %dma_start3A_30 : memref<1x1x2x80xi32, #tpu.memory_space<hbm>> -> memref<2x80xi32, #tpu.memory_space<hbm>>
    %dma_start3A_32 = arith.constant 0 : i32
    %dma_start3A_33 = arith.constant 0 : i32
    %dma_start3A_34 = tpu.memref_slice %arg3[%add3A, %dma_start3A_27, %dma_start3A_32, %dma_start3A_33] : memref<32x125x2x80xi32, #tpu.memory_space<hbm>> -> memref<1x1x2x80xi32, #tpu.memory_space<hbm>>
    %dma_start3A_35 = tpu.memref_squeeze %dma_start3A_34 : memref<1x1x2x80xi32, #tpu.memory_space<hbm>> -> memref<2x80xi32, #tpu.memory_space<hbm>>
    tpu.enqueue_dma source(%dma_start3A_35 : memref<2x80xi32, #tpu.memory_space<hbm>>) target(%arg11 : memref<2x80xi32, #tpu.memory_space<vmem>>) target_semaphore(%arg17 : memref<!tpu.dma_semaphore, #tpu.memory_space<semaphore_mem>>)
    %mul3A_36 = arith.constant 640 : i32
    %mul3A_37 = arith.muli %arg1, %mul3A_36 : i32
    "tpu.region"() ({
      %run_scoped3A_88 = tpu.sem_alloc : memref<!tpu.dma_semaphore, #tpu.memory_space<semaphore_mem>>
      %dma_start3A_89 = arith.constant 0 : i32
      %dma_start3A_90 = tpu.memref_slice %arg7[%mul3A_37, %dma_start3A_89] : memref<10240x128xf32, #tpu.memory_space<vmem_shared>> -> memref<640x128xf32, #tpu.memory_space<vmem_shared>>
      tpu.enqueue_dma source(%arg4 : memref<640x128xf32, #tpu.memory_space<hbm>>) target(%dma_start3A_90 : memref<640x128xf32, #tpu.memory_space<vmem_shared>>) target_semaphore(%run_scoped3A_88 : memref<!tpu.dma_semaphore, #tpu.memory_space<semaphore_mem>>)
      %dma_wait3A_91 = arith.constant 0 : i32
      %dma_wait3A_92 = tpu.memref_slice %arg7[%mul3A_37, %dma_wait3A_91] : memref<10240x128xf32, #tpu.memory_space<vmem_shared>> -> memref<640x128xf32, #tpu.memory_space<vmem_shared>>
      tpu.wait_dma2 semaphore(%run_scoped3A_88 : memref<!tpu.dma_semaphore, #tpu.memory_space<semaphore_mem>>) src(%arg4 : memref<640x128xf32, #tpu.memory_space<hbm>>) dst(%dma_wait3A_92 : memref<640x128xf32, #tpu.memory_space<vmem_shared>>)
      tpu.yield
    }) : () -> ()
    %dma_wait3A = arith.constant 0 : i32
    %dma_wait3A_38 = arith.constant 0 : i32
    %dma_wait3A_39 = arith.constant 0 : i32
    %dma_wait3A_40 = tpu.memref_slice %arg3[%add3A, %dma_wait3A, %dma_wait3A_38, %dma_wait3A_39] : memref<32x125x2x80xi32, #tpu.memory_space<hbm>> -> memref<1x1x2x80xi32, #tpu.memory_space<hbm>>
    %dma_wait3A_41 = tpu.memref_squeeze %dma_wait3A_40 : memref<1x1x2x80xi32, #tpu.memory_space<hbm>> -> memref<2x80xi32, #tpu.memory_space<hbm>>
    %dma_wait3A_42 = arith.constant 0 : i32
    %dma_wait3A_43 = arith.constant 0 : i32
    %dma_wait3A_44 = tpu.memref_slice %arg3[%add3A, %dma_wait3A, %dma_wait3A_42, %dma_wait3A_43] : memref<32x125x2x80xi32, #tpu.memory_space<hbm>> -> memref<1x1x2x80xi32, #tpu.memory_space<hbm>>
    %dma_wait3A_45 = tpu.memref_squeeze %dma_wait3A_44 : memref<1x1x2x80xi32, #tpu.memory_space<hbm>> -> memref<2x80xi32, #tpu.memory_space<hbm>>
    tpu.wait_dma2 semaphore(%arg14 : memref<!tpu.dma_semaphore, #tpu.memory_space<semaphore_mem>>) src(%dma_wait3A_45 : memref<2x80xi32, #tpu.memory_space<hbm>>) dst(%arg8 : memref<2x80xi32, #tpu.memory_space<vmem>>)
    %dma_start3A_46 = arith.constant 0 : i32
    %dma_start3A_47 = arith.constant 0 : i32
    %dma_start3A_48 = tpu.memref_slice %arg8[%dma_start3A_46, %dma_start3A_47] : memref<2x80xi32, #tpu.memory_space<vmem>> -> memref<1x80xi32, #tpu.memory_space<vmem>>
    %dma_start3A_49 = tpu.memref_squeeze %dma_start3A_48 : memref<1x80xi32, #tpu.memory_space<vmem>> -> memref<80xi32, #tpu.memory_space<vmem>>
    %dma_start3A_50 = arith.constant 0 : i32
    %dma_start3A_51 = arith.constant 0 : i32
    %dma_start3A_52 = tpu.memref_slice %arg2[%dma_start3A_50, %dma_start3A_51] : memref<10240x128xf32, #tpu.memory_space<hbm>> -> memref<10240x128xf32, #tpu.memory_space<hbm>>
    tpu.enqueue_indirect_dma source(%dma_start3A_52 : memref<10240x128xf32, #tpu.memory_space<hbm>>) target(%arg12 : memref<80x128xf32, #tpu.memory_space<vmem>>) offsets(%dma_start3A_49 : memref<80xi32, #tpu.memory_space<vmem>>) semaphore(%arg18 : memref<!tpu.dma_semaphore, #tpu.memory_space<semaphore_mem>>)
    %dma_wait3A_53 = arith.constant 1 : i32
    %dma_wait3A_54 = arith.constant 0 : i32
    %dma_wait3A_55 = arith.constant 0 : i32
    %dma_wait3A_56 = tpu.memref_slice %arg3[%add3A, %dma_wait3A_53, %dma_wait3A_54, %dma_wait3A_55] : memref<32x125x2x80xi32, #tpu.memory_space<hbm>> -> memref<1x1x2x80xi32, #tpu.memory_space<hbm>>
    %dma_wait3A_57 = tpu.memref_squeeze %dma_wait3A_56 : memref<1x1x2x80xi32, #tpu.memory_space<hbm>> -> memref<2x80xi32, #tpu.memory_space<hbm>>
    %dma_wait3A_58 = arith.constant 0 : i32
    %dma_wait3A_59 = arith.constant 0 : i32
    %dma_wait3A_60 = tpu.memref_slice %arg3[%add3A, %dma_wait3A_53, %dma_wait3A_58, %dma_wait3A_59] : memref<32x125x2x80xi32, #tpu.memory_space<hbm>> -> memref<1x1x2x80xi32, #tpu.memory_space<hbm>>
    %dma_wait3A_61 = tpu.memref_squeeze %dma_wait3A_60 : memref<1x1x2x80xi32, #tpu.memory_space<hbm>> -> memref<2x80xi32, #tpu.memory_space<hbm>>
    tpu.wait_dma2 semaphore(%arg15 : memref<!tpu.dma_semaphore, #tpu.memory_space<semaphore_mem>>) src(%dma_wait3A_61 : memref<2x80xi32, #tpu.memory_space<hbm>>) dst(%arg9 : memref<2x80xi32, #tpu.memory_space<vmem>>)
    %dma_start3A_62 = arith.constant 0 : i32
    %dma_start3A_63 = arith.constant 0 : i32
    %dma_start3A_64 = tpu.memref_slice %arg9[%dma_start3A_62, %dma_start3A_63] : memref<2x80xi32, #tpu.memory_space<vmem>> -> memref<1x80xi32, #tpu.memory_space<vmem>>
    %dma_start3A_65 = tpu.memref_squeeze %dma_start3A_64 : memref<1x80xi32, #tpu.memory_space<vmem>> -> memref<80xi32, #tpu.memory_space<vmem>>
    %dma_start3A_66 = arith.constant 0 : i32
    %dma_start3A_67 = arith.constant 0 : i32
    %dma_start3A_68 = tpu.memref_slice %arg2[%dma_start3A_66, %dma_start3A_67] : memref<10240x128xf32, #tpu.memory_space<hbm>> -> memref<10240x128xf32, #tpu.memory_space<hbm>>
    tpu.enqueue_indirect_dma source(%dma_start3A_68 : memref<10240x128xf32, #tpu.memory_space<hbm>>) target(%arg13 : memref<80x128xf32, #tpu.memory_space<vmem>>) offsets(%dma_start3A_65 : memref<80xi32, #tpu.memory_space<vmem>>) semaphore(%arg19 : memref<!tpu.dma_semaphore, #tpu.memory_space<semaphore_mem>>)
    %barrier3A = arith.constant 0 : index
    tpu.barrier barrier_id(%barrier3A)
    %scan3A = arith.constant 0 : i32
    %scan3A_69 = arith.constant 31 : i32
    %scan3A_70 = arith.addi %scan3A, %scan3A_69 : i32
    %scan3A_71 = arith.constant 1 : i32
    scf.for %scan3A_88 = %scan3A to %scan3A_70 step %scan3A_71  : i32 {
      %mul3A_89 = arith.constant 4 : i32
      %mul3A_90 = arith.muli %scan3A_88, %mul3A_89 : i32
      %add3A_91 = arith.constant 0 : i32
      %add3A_92 = arith.addi %add3A_91, %mul3A_90 : i32
      %add3A_93 = arith.constant 0 : i32
      %add3A_94 = arith.addi %add3A_92, %add3A_93 : i32
      %dma_wait3A_95 = arith.constant 0 : i32
      %dma_wait3A_96 = arith.constant 0 : i32
      %dma_wait3A_97 = tpu.memref_slice %arg8[%dma_wait3A_95, %dma_wait3A_96] : memref<2x80xi32, #tpu.memory_space<vmem>> -> memref<1x80xi32, #tpu.memory_space<vmem>>
      %dma_wait3A_98 = tpu.memref_squeeze %dma_wait3A_97 : memref<1x80xi32, #tpu.memory_space<vmem>> -> memref<80xi32, #tpu.memory_space<vmem>>
      %dma_wait3A_99 = arith.constant 0 : i32
      %dma_wait3A_100 = arith.constant 0 : i32
      %dma_wait3A_101 = tpu.memref_slice %arg2[%dma_wait3A_99, %dma_wait3A_100] : memref<10240x128xf32, #tpu.memory_space<hbm>> -> memref<10240x128xf32, #tpu.memory_space<hbm>>
      tpu.wait_indirect_dma semaphore(%arg18 : memref<!tpu.dma_semaphore, #tpu.memory_space<semaphore_mem>>) src(%dma_wait3A_101 : memref<10240x128xf32, #tpu.memory_space<hbm>>) dst(%arg12 : memref<80x128xf32, #tpu.memory_space<vmem>>)
      %run_scoped3A_102 = arith.constant 1 : i32
      "tpu.region"() ({
        %run_scoped3A_188 = tpu.sem_alloc : memref<!tpu.dma_semaphore, #tpu.memory_space<semaphore_mem>>
        %dma_start3A_189 = arith.constant 0 : i32
        %dma_start3A_190 = tpu.memref_slice %arg8[%run_scoped3A_102, %dma_start3A_189] : memref<2x80xi32, #tpu.memory_space<vmem>> -> memref<1x80xi32, #tpu.memory_space<vmem>>
        %dma_start3A_191 = tpu.memref_squeeze %dma_start3A_190 : memref<1x80xi32, #tpu.memory_space<vmem>> -> memref<80xi32, #tpu.memory_space<vmem>>
        %dma_start3A_192 = arith.constant 0 : i32
        %dma_start3A_193 = arith.constant 0 : i32
        %dma_start3A_194 = tpu.memref_slice %arg7[%dma_start3A_192, %dma_start3A_193] : memref<10240x128xf32, #tpu.memory_space<vmem_shared>> -> memref<10240x128xf32, #tpu.memory_space<vmem_shared>>
        tpu.enqueue_indirect_dma source(%arg12 : memref<80x128xf32, #tpu.memory_space<vmem>>) target(%dma_start3A_194 : memref<10240x128xf32, #tpu.memory_space<vmem_shared>>) offsets(%dma_start3A_191 : memref<80xi32, #tpu.memory_space<vmem>>) semaphore(%run_scoped3A_188 : memref<!tpu.dma_semaphore, #tpu.memory_space<semaphore_mem>>) {add = true}
        %dma_wait3A_195 = arith.constant 0 : i32
        %dma_wait3A_196 = tpu.memref_slice %arg8[%run_scoped3A_102, %dma_wait3A_195] : memref<2x80xi32, #tpu.memory_space<vmem>> -> memref<1x80xi32, #tpu.memory_space<vmem>>
        %dma_wait3A_197 = tpu.memref_squeeze %dma_wait3A_196 : memref<1x80xi32, #tpu.memory_space<vmem>> -> memref<80xi32, #tpu.memory_space<vmem>>
        %dma_wait3A_198 = arith.constant 0 : i32
        %dma_wait3A_199 = arith.constant 0 : i32
        %dma_wait3A_200 = tpu.memref_slice %arg7[%dma_wait3A_198, %dma_wait3A_199] : memref<10240x128xf32, #tpu.memory_space<vmem_shared>> -> memref<10240x128xf32, #tpu.memory_space<vmem_shared>>
        tpu.wait_indirect_dma semaphore(%run_scoped3A_188 : memref<!tpu.dma_semaphore, #tpu.memory_space<semaphore_mem>>) src(%arg12 : memref<80x128xf32, #tpu.memory_space<vmem>>) dst(%dma_wait3A_200 : memref<10240x128xf32, #tpu.memory_space<vmem_shared>>)
        tpu.yield
      }) : () -> ()
      %add3A_103 = arith.constant 4 : i32
      %add3A_104 = arith.addi %add3A_94, %add3A_103 : i32
      %lt3A = arith.constant 125 : i32
      %lt3A_105 = arith.cmpi slt, %add3A_104, %lt3A : i32
      %convert_element_type3A_106 = arith.extui %lt3A_105 : i1 to i32
      %cond3A_107 = arith.constant 0 : i32
      %cond3A_108 = arith.cmpi ne, %convert_element_type3A_106, %cond3A_107 : i32
      scf.if %cond3A_108 {
        %add3A_188 = arith.constant 4 : i32
        %add3A_189 = arith.addi %add3A_94, %add3A_188 : i32
        %dma_start3A_190 = arith.constant 0 : i32
        %dma_start3A_191 = arith.constant 0 : i32
        %dma_start3A_192 = tpu.memref_slice %arg3[%add3A, %add3A_189, %dma_start3A_190, %dma_start3A_191] : memref<32x125x2x80xi32, #tpu.memory_space<hbm>> -> memref<1x1x2x80xi32, #tpu.memory_space<hbm>>
        %dma_start3A_193 = tpu.memref_squeeze %dma_start3A_192 : memref<1x1x2x80xi32, #tpu.memory_space<hbm>> -> memref<2x80xi32, #tpu.memory_space<hbm>>
        %dma_start3A_194 = arith.constant 0 : i32
        %dma_start3A_195 = arith.constant 0 : i32
        %dma_start3A_196 = tpu.memref_slice %arg3[%add3A, %add3A_189, %dma_start3A_194, %dma_start3A_195] : memref<32x125x2x80xi32, #tpu.memory_space<hbm>> -> memref<1x1x2x80xi32, #tpu.memory_space<hbm>>
        %dma_start3A_197 = tpu.memref_squeeze %dma_start3A_196 : memref<1x1x2x80xi32, #tpu.memory_space<hbm>> -> memref<2x80xi32, #tpu.memory_space<hbm>>
        tpu.enqueue_dma source(%dma_start3A_197 : memref<2x80xi32, #tpu.memory_space<hbm>>) target(%arg8 : memref<2x80xi32, #tpu.memory_space<vmem>>) target_semaphore(%arg14 : memref<!tpu.dma_semaphore, #tpu.memory_space<semaphore_mem>>)
      } else {
      }
      %add3A_109 = arith.constant 2 : i32
      %add3A_110 = arith.addi %add3A_94, %add3A_109 : i32
      %lt3A_111 = arith.constant 125 : i32
      %lt3A_112 = arith.cmpi slt, %add3A_110, %lt3A_111 : i32
      %convert_element_type3A_113 = arith.extui %lt3A_112 : i1 to i32
      %cond3A_114 = arith.constant 0 : i32
      %cond3A_115 = arith.cmpi ne, %convert_element_type3A_113, %cond3A_114 : i32
      scf.if %cond3A_115 {
        %add3A_188 = arith.constant 2 : i32
        %add3A_189 = arith.addi %add3A_94, %add3A_188 : i32
        %dma_wait3A_190 = arith.constant 0 : i32
        %dma_wait3A_191 = arith.constant 0 : i32
        %dma_wait3A_192 = tpu.memref_slice %arg3[%add3A, %add3A_189, %dma_wait3A_190, %dma_wait3A_191] : memref<32x125x2x80xi32, #tpu.memory_space<hbm>> -> memref<1x1x2x80xi32, #tpu.memory_space<hbm>>
        %dma_wait3A_193 = tpu.memref_squeeze %dma_wait3A_192 : memref<1x1x2x80xi32, #tpu.memory_space<hbm>> -> memref<2x80xi32, #tpu.memory_space<hbm>>
        %dma_wait3A_194 = arith.constant 0 : i32
        %dma_wait3A_195 = arith.constant 0 : i32
        %dma_wait3A_196 = tpu.memref_slice %arg3[%add3A, %add3A_189, %dma_wait3A_194, %dma_wait3A_195] : memref<32x125x2x80xi32, #tpu.memory_space<hbm>> -> memref<1x1x2x80xi32, #tpu.memory_space<hbm>>
        %dma_wait3A_197 = tpu.memref_squeeze %dma_wait3A_196 : memref<1x1x2x80xi32, #tpu.memory_space<hbm>> -> memref<2x80xi32, #tpu.memory_space<hbm>>
        tpu.wait_dma2 semaphore(%arg16 : memref<!tpu.dma_semaphore, #tpu.memory_space<semaphore_mem>>) src(%dma_wait3A_197 : memref<2x80xi32, #tpu.memory_space<hbm>>) dst(%arg10 : memref<2x80xi32, #tpu.memory_space<vmem>>)
        %dma_start3A_198 = arith.constant 0 : i32
        %dma_start3A_199 = arith.constant 0 : i32
        %dma_start3A_200 = tpu.memref_slice %arg10[%dma_start3A_198, %dma_start3A_199] : memref<2x80xi32, #tpu.memory_space<vmem>> -> memref<1x80xi32, #tpu.memory_space<vmem>>
        %dma_start3A_201 = tpu.memref_squeeze %dma_start3A_200 : memref<1x80xi32, #tpu.memory_space<vmem>> -> memref<80xi32, #tpu.memory_space<vmem>>
        %dma_start3A_202 = arith.constant 0 : i32
        %dma_start3A_203 = arith.constant 0 : i32
        %dma_start3A_204 = tpu.memref_slice %arg2[%dma_start3A_202, %dma_start3A_203] : memref<10240x128xf32, #tpu.memory_space<hbm>> -> memref<10240x128xf32, #tpu.memory_space<hbm>>
        tpu.enqueue_indirect_dma source(%dma_start3A_204 : memref<10240x128xf32, #tpu.memory_space<hbm>>) target(%arg12 : memref<80x128xf32, #tpu.memory_space<vmem>>) offsets(%dma_start3A_201 : memref<80xi32, #tpu.memory_space<vmem>>) semaphore(%arg18 : memref<!tpu.dma_semaphore, #tpu.memory_space<semaphore_mem>>)
      } else {
      }
      %add3A_116 = arith.constant 1 : i32
      %add3A_117 = arith.addi %add3A_92, %add3A_116 : i32
      %dma_wait3A_118 = arith.constant 0 : i32
      %dma_wait3A_119 = arith.constant 0 : i32
      %dma_wait3A_120 = tpu.memref_slice %arg9[%dma_wait3A_118, %dma_wait3A_119] : memref<2x80xi32, #tpu.memory_space<vmem>> -> memref<1x80xi32, #tpu.memory_space<vmem>>
      %dma_wait3A_121 = tpu.memref_squeeze %dma_wait3A_120 : memref<1x80xi32, #tpu.memory_space<vmem>> -> memref<80xi32, #tpu.memory_space<vmem>>
      %dma_wait3A_122 = arith.constant 0 : i32
      %dma_wait3A_123 = arith.constant 0 : i32
      %dma_wait3A_124 = tpu.memref_slice %arg2[%dma_wait3A_122, %dma_wait3A_123] : memref<10240x128xf32, #tpu.memory_space<hbm>> -> memref<10240x128xf32, #tpu.memory_space<hbm>>
      tpu.wait_indirect_dma semaphore(%arg19 : memref<!tpu.dma_semaphore, #tpu.memory_space<semaphore_mem>>) src(%dma_wait3A_124 : memref<10240x128xf32, #tpu.memory_space<hbm>>) dst(%arg13 : memref<80x128xf32, #tpu.memory_space<vmem>>)
      %run_scoped3A_125 = arith.constant 1 : i32
      "tpu.region"() ({
        %run_scoped3A_188 = tpu.sem_alloc : memref<!tpu.dma_semaphore, #tpu.memory_space<semaphore_mem>>
        %dma_start3A_189 = arith.constant 0 : i32
        %dma_start3A_190 = tpu.memref_slice %arg9[%run_scoped3A_125, %dma_start3A_189] : memref<2x80xi32, #tpu.memory_space<vmem>> -> memref<1x80xi32, #tpu.memory_space<vmem>>
        %dma_start3A_191 = tpu.memref_squeeze %dma_start3A_190 : memref<1x80xi32, #tpu.memory_space<vmem>> -> memref<80xi32, #tpu.memory_space<vmem>>
        %dma_start3A_192 = arith.constant 0 : i32
        %dma_start3A_193 = arith.constant 0 : i32
        %dma_start3A_194 = tpu.memref_slice %arg7[%dma_start3A_192, %dma_start3A_193] : memref<10240x128xf32, #tpu.memory_space<vmem_shared>> -> memref<10240x128xf32, #tpu.memory_space<vmem_shared>>
        tpu.enqueue_indirect_dma source(%arg13 : memref<80x128xf32, #tpu.memory_space<vmem>>) target(%dma_start3A_194 : memref<10240x128xf32, #tpu.memory_space<vmem_shared>>) offsets(%dma_start3A_191 : memref<80xi32, #tpu.memory_space<vmem>>) semaphore(%run_scoped3A_188 : memref<!tpu.dma_semaphore, #tpu.memory_space<semaphore_mem>>) {add = true}
        %dma_wait3A_195 = arith.constant 0 : i32
        %dma_wait3A_196 = tpu.memref_slice %arg9[%run_scoped3A_125, %dma_wait3A_195] : memref<2x80xi32, #tpu.memory_space<vmem>> -> memref<1x80xi32, #tpu.memory_space<vmem>>
        %dma_wait3A_197 = tpu.memref_squeeze %dma_wait3A_196 : memref<1x80xi32, #tpu.memory_space<vmem>> -> memref<80xi32, #tpu.memory_space<vmem>>
        %dma_wait3A_198 = arith.constant 0 : i32
        %dma_wait3A_199 = arith.constant 0 : i32
        %dma_wait3A_200 = tpu.memref_slice %arg7[%dma_wait3A_198, %dma_wait3A_199] : memref<10240x128xf32, #tpu.memory_space<vmem_shared>> -> memref<10240x128xf32, #tpu.memory_space<vmem_shared>>
        tpu.wait_indirect_dma semaphore(%run_scoped3A_188 : memref<!tpu.dma_semaphore, #tpu.memory_space<semaphore_mem>>) src(%arg13 : memref<80x128xf32, #tpu.memory_space<vmem>>) dst(%dma_wait3A_200 : memref<10240x128xf32, #tpu.memory_space<vmem_shared>>)
        tpu.yield
      }) : () -> ()
      %add3A_126 = arith.constant 4 : i32
      %add3A_127 = arith.addi %add3A_117, %add3A_126 : i32
      %lt3A_128 = arith.constant 125 : i32
      %lt3A_129 = arith.cmpi slt, %add3A_127, %lt3A_128 : i32
      %convert_element_type3A_130 = arith.extui %lt3A_129 : i1 to i32
      %cond3A_131 = arith.constant 0 : i32
      %cond3A_132 = arith.cmpi ne, %convert_element_type3A_130, %cond3A_131 : i32
      scf.if %cond3A_132 {
        %add3A_188 = arith.constant 4 : i32
        %add3A_189 = arith.addi %add3A_117, %add3A_188 : i32
        %dma_start3A_190 = arith.constant 0 : i32
        %dma_start3A_191 = arith.constant 0 : i32
        %dma_start3A_192 = tpu.memref_slice %arg3[%add3A, %add3A_189, %dma_start3A_190, %dma_start3A_191] : memref<32x125x2x80xi32, #tpu.memory_space<hbm>> -> memref<1x1x2x80xi32, #tpu.memory_space<hbm>>
        %dma_start3A_193 = tpu.memref_squeeze %dma_start3A_192 : memref<1x1x2x80xi32, #tpu.memory_space<hbm>> -> memref<2x80xi32, #tpu.memory_space<hbm>>
        %dma_start3A_194 = arith.constant 0 : i32
        %dma_start3A_195 = arith.constant 0 : i32
        %dma_start3A_196 = tpu.memref_slice %arg3[%add3A, %add3A_189, %dma_start3A_194, %dma_start3A_195] : memref<32x125x2x80xi32, #tpu.memory_space<hbm>> -> memref<1x1x2x80xi32, #tpu.memory_space<hbm>>
        %dma_start3A_197 = tpu.memref_squeeze %dma_start3A_196 : memref<1x1x2x80xi32, #tpu.memory_space<hbm>> -> memref<2x80xi32, #tpu.memory_space<hbm>>
        tpu.enqueue_dma source(%dma_start3A_197 : memref<2x80xi32, #tpu.memory_space<hbm>>) target(%arg9 : memref<2x80xi32, #tpu.memory_space<vmem>>) target_semaphore(%arg15 : memref<!tpu.dma_semaphore, #tpu.memory_space<semaphore_mem>>)
      } else {
      }
      %add3A_133 = arith.constant 2 : i32
      %add3A_134 = arith.addi %add3A_117, %add3A_133 : i32
      %lt3A_135 = arith.constant 125 : i32
      %lt3A_136 = arith.cmpi slt, %add3A_134, %lt3A_135 : i32
      %convert_element_type3A_137 = arith.extui %lt3A_136 : i1 to i32
      %cond3A_138 = arith.constant 0 : i32
      %cond3A_139 = arith.cmpi ne, %convert_element_type3A_137, %cond3A_138 : i32
      scf.if %cond3A_139 {
        %add3A_188 = arith.constant 2 : i32
        %add3A_189 = arith.addi %add3A_117, %add3A_188 : i32
        %dma_wait3A_190 = arith.constant 0 : i32
        %dma_wait3A_191 = arith.constant 0 : i32
        %dma_wait3A_192 = tpu.memref_slice %arg3[%add3A, %add3A_189, %dma_wait3A_190, %dma_wait3A_191] : memref<32x125x2x80xi32, #tpu.memory_space<hbm>> -> memref<1x1x2x80xi32, #tpu.memory_space<hbm>>
        %dma_wait3A_193 = tpu.memref_squeeze %dma_wait3A_192 : memref<1x1x2x80xi32, #tpu.memory_space<hbm>> -> memref<2x80xi32, #tpu.memory_space<hbm>>
        %dma_wait3A_194 = arith.constant 0 : i32
        %dma_wait3A_195 = arith.constant 0 : i32
        %dma_wait3A_196 = tpu.memref_slice %arg3[%add3A, %add3A_189, %dma_wait3A_194, %dma_wait3A_195] : memref<32x125x2x80xi32, #tpu.memory_space<hbm>> -> memref<1x1x2x80xi32, #tpu.memory_space<hbm>>
        %dma_wait3A_197 = tpu.memref_squeeze %dma_wait3A_196 : memref<1x1x2x80xi32, #tpu.memory_space<hbm>> -> memref<2x80xi32, #tpu.memory_space<hbm>>
        tpu.wait_dma2 semaphore(%arg17 : memref<!tpu.dma_semaphore, #tpu.memory_space<semaphore_mem>>) src(%dma_wait3A_197 : memref<2x80xi32, #tpu.memory_space<hbm>>) dst(%arg11 : memref<2x80xi32, #tpu.memory_space<vmem>>)
        %dma_start3A_198 = arith.constant 0 : i32
        %dma_start3A_199 = arith.constant 0 : i32
        %dma_start3A_200 = tpu.memref_slice %arg11[%dma_start3A_198, %dma_start3A_199] : memref<2x80xi32, #tpu.memory_space<vmem>> -> memref<1x80xi32, #tpu.memory_space<vmem>>
        %dma_start3A_201 = tpu.memref_squeeze %dma_start3A_200 : memref<1x80xi32, #tpu.memory_space<vmem>> -> memref<80xi32, #tpu.memory_space<vmem>>
        %dma_start3A_202 = arith.constant 0 : i32
        %dma_start3A_203 = arith.constant 0 : i32
        %dma_start3A_204 = tpu.memref_slice %arg2[%dma_start3A_202, %dma_start3A_203] : memref<10240x128xf32, #tpu.memory_space<hbm>> -> memref<10240x128xf32, #tpu.memory_space<hbm>>
        tpu.enqueue_indirect_dma source(%dma_start3A_204 : memref<10240x128xf32, #tpu.memory_space<hbm>>) target(%arg13 : memref<80x128xf32, #tpu.memory_space<vmem>>) offsets(%dma_start3A_201 : memref<80xi32, #tpu.memory_space<vmem>>) semaphore(%arg19 : memref<!tpu.dma_semaphore, #tpu.memory_space<semaphore_mem>>)
      } else {
      }
      %add3A_140 = arith.constant 2 : i32
      %add3A_141 = arith.addi %add3A_92, %add3A_140 : i32
      %dma_wait3A_142 = arith.constant 0 : i32
      %dma_wait3A_143 = arith.constant 0 : i32
      %dma_wait3A_144 = tpu.memref_slice %arg10[%dma_wait3A_142, %dma_wait3A_143] : memref<2x80xi32, #tpu.memory_space<vmem>> -> memref<1x80xi32, #tpu.memory_space<vmem>>
      %dma_wait3A_145 = tpu.memref_squeeze %dma_wait3A_144 : memref<1x80xi32, #tpu.memory_space<vmem>> -> memref<80xi32, #tpu.memory_space<vmem>>
      %dma_wait3A_146 = arith.constant 0 : i32
      %dma_wait3A_147 = arith.constant 0 : i32
      %dma_wait3A_148 = tpu.memref_slice %arg2[%dma_wait3A_146, %dma_wait3A_147] : memref<10240x128xf32, #tpu.memory_space<hbm>> -> memref<10240x128xf32, #tpu.memory_space<hbm>>
      tpu.wait_indirect_dma semaphore(%arg18 : memref<!tpu.dma_semaphore, #tpu.memory_space<semaphore_mem>>) src(%dma_wait3A_148 : memref<10240x128xf32, #tpu.memory_space<hbm>>) dst(%arg12 : memref<80x128xf32, #tpu.memory_space<vmem>>)
      %run_scoped3A_149 = arith.constant 1 : i32
      "tpu.region"() ({
        %run_scoped3A_188 = tpu.sem_alloc : memref<!tpu.dma_semaphore, #tpu.memory_space<semaphore_mem>>
        %dma_start3A_189 = arith.constant 0 : i32
        %dma_start3A_190 = tpu.memref_slice %arg10[%run_scoped3A_149, %dma_start3A_189] : memref<2x80xi32, #tpu.memory_space<vmem>> -> memref<1x80xi32, #tpu.memory_space<vmem>>
        %dma_start3A_191 = tpu.memref_squeeze %dma_start3A_190 : memref<1x80xi32, #tpu.memory_space<vmem>> -> memref<80xi32, #tpu.memory_space<vmem>>
        %dma_start3A_192 = arith.constant 0 : i32
        %dma_start3A_193 = arith.constant 0 : i32
        %dma_start3A_194 = tpu.memref_slice %arg7[%dma_start3A_192, %dma_start3A_193] : memref<10240x128xf32, #tpu.memory_space<vmem_shared>> -> memref<10240x128xf32, #tpu.memory_space<vmem_shared>>
        tpu.enqueue_indirect_dma source(%arg12 : memref<80x128xf32, #tpu.memory_space<vmem>>) target(%dma_start3A_194 : memref<10240x128xf32, #tpu.memory_space<vmem_shared>>) offsets(%dma_start3A_191 : memref<80xi32, #tpu.memory_space<vmem>>) semaphore(%run_scoped3A_188 : memref<!tpu.dma_semaphore, #tpu.memory_space<semaphore_mem>>) {add = true}
        %dma_wait3A_195 = arith.constant 0 : i32
        %dma_wait3A_196 = tpu.memref_slice %arg10[%run_scoped3A_149, %dma_wait3A_195] : memref<2x80xi32, #tpu.memory_space<vmem>> -> memref<1x80xi32, #tpu.memory_space<vmem>>
        %dma_wait3A_197 = tpu.memref_squeeze %dma_wait3A_196 : memref<1x80xi32, #tpu.memory_space<vmem>> -> memref<80xi32, #tpu.memory_space<vmem>>
        %dma_wait3A_198 = arith.constant 0 : i32
        %dma_wait3A_199 = arith.constant 0 : i32
        %dma_wait3A_200 = tpu.memref_slice %arg7[%dma_wait3A_198, %dma_wait3A_199] : memref<10240x128xf32, #tpu.memory_space<vmem_shared>> -> memref<10240x128xf32, #tpu.memory_space<vmem_shared>>
        tpu.wait_indirect_dma semaphore(%run_scoped3A_188 : memref<!tpu.dma_semaphore, #tpu.memory_space<semaphore_mem>>) src(%arg12 : memref<80x128xf32, #tpu.memory_space<vmem>>) dst(%dma_wait3A_200 : memref<10240x128xf32, #tpu.memory_space<vmem_shared>>)
        tpu.yield
      }) : () -> ()
      %add3A_150 = arith.constant 4 : i32
      %add3A_151 = arith.addi %add3A_141, %add3A_150 : i32
      %lt3A_152 = arith.constant 125 : i32
      %lt3A_153 = arith.cmpi slt, %add3A_151, %lt3A_152 : i32
      %convert_element_type3A_154 = arith.extui %lt3A_153 : i1 to i32
      %cond3A_155 = arith.constant 0 : i32
      %cond3A_156 = arith.cmpi ne, %convert_element_type3A_154, %cond3A_155 : i32
      scf.if %cond3A_156 {
        %add3A_188 = arith.constant 4 : i32
        %add3A_189 = arith.addi %add3A_141, %add3A_188 : i32
        %dma_start3A_190 = arith.constant 0 : i32
        %dma_start3A_191 = arith.constant 0 : i32
        %dma_start3A_192 = tpu.memref_slice %arg3[%add3A, %add3A_189, %dma_start3A_190, %dma_start3A_191] : memref<32x125x2x80xi32, #tpu.memory_space<hbm>> -> memref<1x1x2x80xi32, #tpu.memory_space<hbm>>
        %dma_start3A_193 = tpu.memref_squeeze %dma_start3A_192 : memref<1x1x2x80xi32, #tpu.memory_space<hbm>> -> memref<2x80xi32, #tpu.memory_space<hbm>>
        %dma_start3A_194 = arith.constant 0 : i32
        %dma_start3A_195 = arith.constant 0 : i32
        %dma_start3A_196 = tpu.memref_slice %arg3[%add3A, %add3A_189, %dma_start3A_194, %dma_start3A_195] : memref<32x125x2x80xi32, #tpu.memory_space<hbm>> -> memref<1x1x2x80xi32, #tpu.memory_space<hbm>>
        %dma_start3A_197 = tpu.memref_squeeze %dma_start3A_196 : memref<1x1x2x80xi32, #tpu.memory_space<hbm>> -> memref<2x80xi32, #tpu.memory_space<hbm>>
        tpu.enqueue_dma source(%dma_start3A_197 : memref<2x80xi32, #tpu.memory_space<hbm>>) target(%arg10 : memref<2x80xi32, #tpu.memory_space<vmem>>) target_semaphore(%arg16 : memref<!tpu.dma_semaphore, #tpu.memory_space<semaphore_mem>>)
      } else {
      }
      %add3A_157 = arith.constant 2 : i32
      %add3A_158 = arith.addi %add3A_141, %add3A_157 : i32
      %lt3A_159 = arith.constant 125 : i32
      %lt3A_160 = arith.cmpi slt, %add3A_158, %lt3A_159 : i32
      %convert_element_type3A_161 = arith.extui %lt3A_160 : i1 to i32
      %cond3A_162 = arith.constant 0 : i32
      %cond3A_163 = arith.cmpi ne, %convert_element_type3A_161, %cond3A_162 : i32
      scf.if %cond3A_163 {
        %add3A_188 = arith.constant 2 : i32
        %add3A_189 = arith.addi %add3A_141, %add3A_188 : i32
        %dma_wait3A_190 = arith.constant 0 : i32
        %dma_wait3A_191 = arith.constant 0 : i32
        %dma_wait3A_192 = tpu.memref_slice %arg3[%add3A, %add3A_189, %dma_wait3A_190, %dma_wait3A_191] : memref<32x125x2x80xi32, #tpu.memory_space<hbm>> -> memref<1x1x2x80xi32, #tpu.memory_space<hbm>>
        %dma_wait3A_193 = tpu.memref_squeeze %dma_wait3A_192 : memref<1x1x2x80xi32, #tpu.memory_space<hbm>> -> memref<2x80xi32, #tpu.memory_space<hbm>>
        %dma_wait3A_194 = arith.constant 0 : i32
        %dma_wait3A_195 = arith.constant 0 : i32
        %dma_wait3A_196 = tpu.memref_slice %arg3[%add3A, %add3A_189, %dma_wait3A_194, %dma_wait3A_195] : memref<32x125x2x80xi32, #tpu.memory_space<hbm>> -> memref<1x1x2x80xi32, #tpu.memory_space<hbm>>
        %dma_wait3A_197 = tpu.memref_squeeze %dma_wait3A_196 : memref<1x1x2x80xi32, #tpu.memory_space<hbm>> -> memref<2x80xi32, #tpu.memory_space<hbm>>
        tpu.wait_dma2 semaphore(%arg14 : memref<!tpu.dma_semaphore, #tpu.memory_space<semaphore_mem>>) src(%dma_wait3A_197 : memref<2x80xi32, #tpu.memory_space<hbm>>) dst(%arg8 : memref<2x80xi32, #tpu.memory_space<vmem>>)
        %dma_start3A_198 = arith.constant 0 : i32
        %dma_start3A_199 = arith.constant 0 : i32
        %dma_start3A_200 = tpu.memref_slice %arg8[%dma_start3A_198, %dma_start3A_199] : memref<2x80xi32, #tpu.memory_space<vmem>> -> memref<1x80xi32, #tpu.memory_space<vmem>>
        %dma_start3A_201 = tpu.memref_squeeze %dma_start3A_200 : memref<1x80xi32, #tpu.memory_space<vmem>> -> memref<80xi32, #tpu.memory_space<vmem>>
        %dma_start3A_202 = arith.constant 0 : i32
        %dma_start3A_203 = arith.constant 0 : i32
        %dma_start3A_204 = tpu.memref_slice %arg2[%dma_start3A_202, %dma_start3A_203] : memref<10240x128xf32, #tpu.memory_space<hbm>> -> memref<10240x128xf32, #tpu.memory_space<hbm>>
        tpu.enqueue_indirect_dma source(%dma_start3A_204 : memref<10240x128xf32, #tpu.memory_space<hbm>>) target(%arg12 : memref<80x128xf32, #tpu.memory_space<vmem>>) offsets(%dma_start3A_201 : memref<80xi32, #tpu.memory_space<vmem>>) semaphore(%arg18 : memref<!tpu.dma_semaphore, #tpu.memory_space<semaphore_mem>>)
      } else {
      }
      %add3A_164 = arith.constant 3 : i32
      %add3A_165 = arith.addi %add3A_92, %add3A_164 : i32
      %dma_wait3A_166 = arith.constant 0 : i32
      %dma_wait3A_167 = arith.constant 0 : i32
      %dma_wait3A_168 = tpu.memref_slice %arg11[%dma_wait3A_166, %dma_wait3A_167] : memref<2x80xi32, #tpu.memory_space<vmem>> -> memref<1x80xi32, #tpu.memory_space<vmem>>
      %dma_wait3A_169 = tpu.memref_squeeze %dma_wait3A_168 : memref<1x80xi32, #tpu.memory_space<vmem>> -> memref<80xi32, #tpu.memory_space<vmem>>
      %dma_wait3A_170 = arith.constant 0 : i32
      %dma_wait3A_171 = arith.constant 0 : i32
      %dma_wait3A_172 = tpu.memref_slice %arg2[%dma_wait3A_170, %dma_wait3A_171] : memref<10240x128xf32, #tpu.memory_space<hbm>> -> memref<10240x128xf32, #tpu.memory_space<hbm>>
      tpu.wait_indirect_dma semaphore(%arg19 : memref<!tpu.dma_semaphore, #tpu.memory_space<semaphore_mem>>) src(%dma_wait3A_172 : memref<10240x128xf32, #tpu.memory_space<hbm>>) dst(%arg13 : memref<80x128xf32, #tpu.memory_space<vmem>>)
      %run_scoped3A_173 = arith.constant 1 : i32
      "tpu.region"() ({
        %run_scoped3A_188 = tpu.sem_alloc : memref<!tpu.dma_semaphore, #tpu.memory_space<semaphore_mem>>
        %dma_start3A_189 = arith.constant 0 : i32
        %dma_start3A_190 = tpu.memref_slice %arg11[%run_scoped3A_173, %dma_start3A_189] : memref<2x80xi32, #tpu.memory_space<vmem>> -> memref<1x80xi32, #tpu.memory_space<vmem>>
        %dma_start3A_191 = tpu.memref_squeeze %dma_start3A_190 : memref<1x80xi32, #tpu.memory_space<vmem>> -> memref<80xi32, #tpu.memory_space<vmem>>
        %dma_start3A_192 = arith.constant 0 : i32
        %dma_start3A_193 = arith.constant 0 : i32
        %dma_start3A_194 = tpu.memref_slice %arg7[%dma_start3A_192, %dma_start3A_193] : memref<10240x128xf32, #tpu.memory_space<vmem_shared>> -> memref<10240x128xf32, #tpu.memory_space<vmem_shared>>
        tpu.enqueue_indirect_dma source(%arg13 : memref<80x128xf32, #tpu.memory_space<vmem>>) target(%dma_start3A_194 : memref<10240x128xf32, #tpu.memory_space<vmem_shared>>) offsets(%dma_start3A_191 : memref<80xi32, #tpu.memory_space<vmem>>) semaphore(%run_scoped3A_188 : memref<!tpu.dma_semaphore, #tpu.memory_space<semaphore_mem>>) {add = true}
        %dma_wait3A_195 = arith.constant 0 : i32
        %dma_wait3A_196 = tpu.memref_slice %arg11[%run_scoped3A_173, %dma_wait3A_195] : memref<2x80xi32, #tpu.memory_space<vmem>> -> memref<1x80xi32, #tpu.memory_space<vmem>>
        %dma_wait3A_197 = tpu.memref_squeeze %dma_wait3A_196 : memref<1x80xi32, #tpu.memory_space<vmem>> -> memref<80xi32, #tpu.memory_space<vmem>>
        %dma_wait3A_198 = arith.constant 0 : i32
        %dma_wait3A_199 = arith.constant 0 : i32
        %dma_wait3A_200 = tpu.memref_slice %arg7[%dma_wait3A_198, %dma_wait3A_199] : memref<10240x128xf32, #tpu.memory_space<vmem_shared>> -> memref<10240x128xf32, #tpu.memory_space<vmem_shared>>
        tpu.wait_indirect_dma semaphore(%run_scoped3A_188 : memref<!tpu.dma_semaphore, #tpu.memory_space<semaphore_mem>>) src(%arg13 : memref<80x128xf32, #tpu.memory_space<vmem>>) dst(%dma_wait3A_200 : memref<10240x128xf32, #tpu.memory_space<vmem_shared>>)
        tpu.yield
      }) : () -> ()
      %add3A_174 = arith.constant 4 : i32
      %add3A_175 = arith.addi %add3A_165, %add3A_174 : i32
      %lt3A_176 = arith.constant 125 : i32
      %lt3A_177 = arith.cmpi slt, %add3A_175, %lt3A_176 : i32
      %convert_element_type3A_178 = arith.extui %lt3A_177 : i1 to i32
      %cond3A_179 = arith.constant 0 : i32
      %cond3A_180 = arith.cmpi ne, %convert_element_type3A_178, %cond3A_179 : i32
      scf.if %cond3A_180 {
        %add3A_188 = arith.constant 4 : i32
        %add3A_189 = arith.addi %add3A_165, %add3A_188 : i32
        %dma_start3A_190 = arith.constant 0 : i32
        %dma_start3A_191 = arith.constant 0 : i32
        %dma_start3A_192 = tpu.memref_slice %arg3[%add3A, %add3A_189, %dma_start3A_190, %dma_start3A_191] : memref<32x125x2x80xi32, #tpu.memory_space<hbm>> -> memref<1x1x2x80xi32, #tpu.memory_space<hbm>>
        %dma_start3A_193 = tpu.memref_squeeze %dma_start3A_192 : memref<1x1x2x80xi32, #tpu.memory_space<hbm>> -> memref<2x80xi32, #tpu.memory_space<hbm>>
        %dma_start3A_194 = arith.constant 0 : i32
        %dma_start3A_195 = arith.constant 0 : i32
        %dma_start3A_196 = tpu.memref_slice %arg3[%add3A, %add3A_189, %dma_start3A_194, %dma_start3A_195] : memref<32x125x2x80xi32, #tpu.memory_space<hbm>> -> memref<1x1x2x80xi32, #tpu.memory_space<hbm>>
        %dma_start3A_197 = tpu.memref_squeeze %dma_start3A_196 : memref<1x1x2x80xi32, #tpu.memory_space<hbm>> -> memref<2x80xi32, #tpu.memory_space<hbm>>
        tpu.enqueue_dma source(%dma_start3A_197 : memref<2x80xi32, #tpu.memory_space<hbm>>) target(%arg11 : memref<2x80xi32, #tpu.memory_space<vmem>>) target_semaphore(%arg17 : memref<!tpu.dma_semaphore, #tpu.memory_space<semaphore_mem>>)
      } else {
      }
      %add3A_181 = arith.constant 2 : i32
      %add3A_182 = arith.addi %add3A_165, %add3A_181 : i32
      %lt3A_183 = arith.constant 125 : i32
      %lt3A_184 = arith.cmpi slt, %add3A_182, %lt3A_183 : i32
      %convert_element_type3A_185 = arith.extui %lt3A_184 : i1 to i32
      %cond3A_186 = arith.constant 0 : i32
      %cond3A_187 = arith.cmpi ne, %convert_element_type3A_185, %cond3A_186 : i32
      scf.if %cond3A_187 {
        %add3A_188 = arith.constant 2 : i32
        %add3A_189 = arith.addi %add3A_165, %add3A_188 : i32
        %dma_wait3A_190 = arith.constant 0 : i32
        %dma_wait3A_191 = arith.constant 0 : i32
        %dma_wait3A_192 = tpu.memref_slice %arg3[%add3A, %add3A_189, %dma_wait3A_190, %dma_wait3A_191] : memref<32x125x2x80xi32, #tpu.memory_space<hbm>> -> memref<1x1x2x80xi32, #tpu.memory_space<hbm>>
        %dma_wait3A_193 = tpu.memref_squeeze %dma_wait3A_192 : memref<1x1x2x80xi32, #tpu.memory_space<hbm>> -> memref<2x80xi32, #tpu.memory_space<hbm>>
        %dma_wait3A_194 = arith.constant 0 : i32
        %dma_wait3A_195 = arith.constant 0 : i32
        %dma_wait3A_196 = tpu.memref_slice %arg3[%add3A, %add3A_189, %dma_wait3A_194, %dma_wait3A_195] : memref<32x125x2x80xi32, #tpu.memory_space<hbm>> -> memref<1x1x2x80xi32, #tpu.memory_space<hbm>>
        %dma_wait3A_197 = tpu.memref_squeeze %dma_wait3A_196 : memref<1x1x2x80xi32, #tpu.memory_space<hbm>> -> memref<2x80xi32, #tpu.memory_space<hbm>>
        tpu.wait_dma2 semaphore(%arg15 : memref<!tpu.dma_semaphore, #tpu.memory_space<semaphore_mem>>) src(%dma_wait3A_197 : memref<2x80xi32, #tpu.memory_space<hbm>>) dst(%arg9 : memref<2x80xi32, #tpu.memory_space<vmem>>)
        %dma_start3A_198 = arith.constant 0 : i32
        %dma_start3A_199 = arith.constant 0 : i32
        %dma_start3A_200 = tpu.memref_slice %arg9[%dma_start3A_198, %dma_start3A_199] : memref<2x80xi32, #tpu.memory_space<vmem>> -> memref<1x80xi32, #tpu.memory_space<vmem>>
        %dma_start3A_201 = tpu.memref_squeeze %dma_start3A_200 : memref<1x80xi32, #tpu.memory_space<vmem>> -> memref<80xi32, #tpu.memory_space<vmem>>
        %dma_start3A_202 = arith.constant 0 : i32
        %dma_start3A_203 = arith.constant 0 : i32
        %dma_start3A_204 = tpu.memref_slice %arg2[%dma_start3A_202, %dma_start3A_203] : memref<10240x128xf32, #tpu.memory_space<hbm>> -> memref<10240x128xf32, #tpu.memory_space<hbm>>
        tpu.enqueue_indirect_dma source(%dma_start3A_204 : memref<10240x128xf32, #tpu.memory_space<hbm>>) target(%arg13 : memref<80x128xf32, #tpu.memory_space<vmem>>) offsets(%dma_start3A_201 : memref<80xi32, #tpu.memory_space<vmem>>) semaphore(%arg19 : memref<!tpu.dma_semaphore, #tpu.memory_space<semaphore_mem>>)
      } else {
      }
    }
    %scan3A_72 = arith.constant 31 : i32
    %dma_wait3A_73 = arith.constant 0 : i32
    %dma_wait3A_74 = arith.constant 0 : i32
    %dma_wait3A_75 = tpu.memref_slice %arg8[%dma_wait3A_73, %dma_wait3A_74] : memref<2x80xi32, #tpu.memory_space<vmem>> -> memref<1x80xi32, #tpu.memory_space<vmem>>
    %dma_wait3A_76 = tpu.memref_squeeze %dma_wait3A_75 : memref<1x80xi32, #tpu.memory_space<vmem>> -> memref<80xi32, #tpu.memory_space<vmem>>
    %dma_wait3A_77 = arith.constant 0 : i32
    %dma_wait3A_78 = arith.constant 0 : i32
    %dma_wait3A_79 = tpu.memref_slice %arg2[%dma_wait3A_77, %dma_wait3A_78] : memref<10240x128xf32, #tpu.memory_space<hbm>> -> memref<10240x128xf32, #tpu.memory_space<hbm>>
    tpu.wait_indirect_dma semaphore(%arg18 : memref<!tpu.dma_semaphore, #tpu.memory_space<semaphore_mem>>) src(%dma_wait3A_79 : memref<10240x128xf32, #tpu.memory_space<hbm>>) dst(%arg12 : memref<80x128xf32, #tpu.memory_space<vmem>>)
    %run_scoped3A = arith.constant 1 : i32
    "tpu.region"() ({
      %run_scoped3A_88 = tpu.sem_alloc : memref<!tpu.dma_semaphore, #tpu.memory_space<semaphore_mem>>
      %dma_start3A_89 = arith.constant 0 : i32
      %dma_start3A_90 = tpu.memref_slice %arg8[%run_scoped3A, %dma_start3A_89] : memref<2x80xi32, #tpu.memory_space<vmem>> -> memref<1x80xi32, #tpu.memory_space<vmem>>
      %dma_start3A_91 = tpu.memref_squeeze %dma_start3A_90 : memref<1x80xi32, #tpu.memory_space<vmem>> -> memref<80xi32, #tpu.memory_space<vmem>>
      %dma_start3A_92 = arith.constant 0 : i32
      %dma_start3A_93 = arith.constant 0 : i32
      %dma_start3A_94 = tpu.memref_slice %arg7[%dma_start3A_92, %dma_start3A_93] : memref<10240x128xf32, #tpu.memory_space<vmem_shared>> -> memref<10240x128xf32, #tpu.memory_space<vmem_shared>>
      tpu.enqueue_indirect_dma source(%arg12 : memref<80x128xf32, #tpu.memory_space<vmem>>) target(%dma_start3A_94 : memref<10240x128xf32, #tpu.memory_space<vmem_shared>>) offsets(%dma_start3A_91 : memref<80xi32, #tpu.memory_space<vmem>>) semaphore(%run_scoped3A_88 : memref<!tpu.dma_semaphore, #tpu.memory_space<semaphore_mem>>) {add = true}
      %dma_wait3A_95 = arith.constant 0 : i32
      %dma_wait3A_96 = tpu.memref_slice %arg8[%run_scoped3A, %dma_wait3A_95] : memref<2x80xi32, #tpu.memory_space<vmem>> -> memref<1x80xi32, #tpu.memory_space<vmem>>
      %dma_wait3A_97 = tpu.memref_squeeze %dma_wait3A_96 : memref<1x80xi32, #tpu.memory_space<vmem>> -> memref<80xi32, #tpu.memory_space<vmem>>
      %dma_wait3A_98 = arith.constant 0 : i32
      %dma_wait3A_99 = arith.constant 0 : i32
      %dma_wait3A_100 = tpu.memref_slice %arg7[%dma_wait3A_98, %dma_wait3A_99] : memref<10240x128xf32, #tpu.memory_space<vmem_shared>> -> memref<10240x128xf32, #tpu.memory_space<vmem_shared>>
      tpu.wait_indirect_dma semaphore(%run_scoped3A_88 : memref<!tpu.dma_semaphore, #tpu.memory_space<semaphore_mem>>) src(%arg12 : memref<80x128xf32, #tpu.memory_space<vmem>>) dst(%dma_wait3A_100 : memref<10240x128xf32, #tpu.memory_space<vmem_shared>>)
      tpu.yield
    }) : () -> ()
    %barrier3A_80 = arith.constant 0 : index
    tpu.barrier barrier_id(%barrier3A_80)
    %eq3A = arith.constant 0 : i32
    %eq3A_81 = arith.cmpi eq, %arg0, %eq3A : i32
    %convert_element_type3A = arith.extui %eq3A_81 : i1 to i32
    %cond3A = arith.constant 0 : i32
    %cond3A_82 = arith.cmpi ne, %convert_element_type3A, %cond3A : i32
    scf.if %cond3A_82 {
      %mul3A_88 = arith.constant 640 : i32
      %mul3A_89 = arith.muli %arg1, %mul3A_88 : i32
      %mul3A_90 = arith.constant 640 : i32
      %mul3A_91 = arith.muli %arg1, %mul3A_90 : i32
      "tpu.region"() ({
        %run_scoped3A_92 = tpu.sem_alloc : memref<!tpu.dma_semaphore, #tpu.memory_space<semaphore_mem>>
        %dma_start3A_93 = arith.constant 0 : i32
        %dma_start3A_94 = tpu.memref_slice %arg5[%mul3A_91, %dma_start3A_93] : memref<10240x128xf32, #tpu.memory_space<hbm>> -> memref<640x128xf32, #tpu.memory_space<hbm>>
        %dma_start3A_95 = arith.constant 0 : i32
        %dma_start3A_96 = tpu.memref_slice %arg7[%mul3A_89, %dma_start3A_95] : memref<10240x128xf32, #tpu.memory_space<vmem_shared>> -> memref<640x128xf32, #tpu.memory_space<vmem_shared>>
        tpu.enqueue_dma source(%dma_start3A_96 : memref<640x128xf32, #tpu.memory_space<vmem_shared>>) target(%dma_start3A_94 : memref<640x128xf32, #tpu.memory_space<hbm>>) target_semaphore(%run_scoped3A_92 : memref<!tpu.dma_semaphore, #tpu.memory_space<semaphore_mem>>)
        %dma_wait3A_97 = arith.constant 0 : i32
        %dma_wait3A_98 = tpu.memref_slice %arg5[%mul3A_91, %dma_wait3A_97] : memref<10240x128xf32, #tpu.memory_space<hbm>> -> memref<640x128xf32, #tpu.memory_space<hbm>>
        %dma_wait3A_99 = arith.constant 0 : i32
        %dma_wait3A_100 = tpu.memref_slice %arg7[%mul3A_89, %dma_wait3A_99] : memref<10240x128xf32, #tpu.memory_space<vmem_shared>> -> memref<640x128xf32, #tpu.memory_space<vmem_shared>>
        tpu.wait_dma2 semaphore(%run_scoped3A_92 : memref<!tpu.dma_semaphore, #tpu.memory_space<semaphore_mem>>) src(%dma_wait3A_100 : memref<640x128xf32, #tpu.memory_space<vmem_shared>>) dst(%dma_wait3A_98 : memref<640x128xf32, #tpu.memory_space<hbm>>)
        tpu.yield
      }) : () -> ()
    } else {
    }
    %eq3A_83 = arith.constant 1 : i32
    %eq3A_84 = arith.cmpi eq, %arg0, %eq3A_83 : i32
    %convert_element_type3A_85 = arith.extui %eq3A_84 : i1 to i32
    %cond3A_86 = arith.constant 0 : i32
    %cond3A_87 = arith.cmpi ne, %convert_element_type3A_85, %cond3A_86 : i32
    scf.if %cond3A_87 {
      %mul3A_88 = arith.constant 640 : i32
      %mul3A_89 = arith.muli %arg1, %mul3A_88 : i32
      %mul3A_90 = arith.constant 640 : i32
      %mul3A_91 = arith.muli %arg1, %mul3A_90 : i32
      "tpu.region"() ({
        %run_scoped3A_92 = tpu.sem_alloc : memref<!tpu.dma_semaphore, #tpu.memory_space<semaphore_mem>>
        %dma_start3A_93 = arith.constant 0 : i32
        %dma_start3A_94 = tpu.memref_slice %arg6[%mul3A_91, %dma_start3A_93] : memref<10240x128xf32, #tpu.memory_space<hbm>> -> memref<640x128xf32, #tpu.memory_space<hbm>>
        %dma_start3A_95 = arith.constant 0 : i32
        %dma_start3A_96 = tpu.memref_slice %arg7[%mul3A_89, %dma_start3A_95] : memref<10240x128xf32, #tpu.memory_space<vmem_shared>> -> memref<640x128xf32, #tpu.memory_space<vmem_shared>>
        tpu.enqueue_dma source(%dma_start3A_96 : memref<640x128xf32, #tpu.memory_space<vmem_shared>>) target(%dma_start3A_94 : memref<640x128xf32, #tpu.memory_space<hbm>>) target_semaphore(%run_scoped3A_92 : memref<!tpu.dma_semaphore, #tpu.memory_space<semaphore_mem>>)
        %dma_wait3A_97 = arith.constant 0 : i32
        %dma_wait3A_98 = tpu.memref_slice %arg6[%mul3A_91, %dma_wait3A_97] : memref<10240x128xf32, #tpu.memory_space<hbm>> -> memref<640x128xf32, #tpu.memory_space<hbm>>
        %dma_wait3A_99 = arith.constant 0 : i32
        %dma_wait3A_100 = tpu.memref_slice %arg7[%mul3A_89, %dma_wait3A_99] : memref<10240x128xf32, #tpu.memory_space<vmem_shared>> -> memref<640x128xf32, #tpu.memory_space<vmem_shared>>
        tpu.wait_dma2 semaphore(%run_scoped3A_92 : memref<!tpu.dma_semaphore, #tpu.memory_space<semaphore_mem>>) src(%dma_wait3A_100 : memref<640x128xf32, #tpu.memory_space<vmem_shared>>) dst(%dma_wait3A_98 : memref<640x128xf32, #tpu.memory_space<hbm>>)
        tpu.yield
      }) : () -> ()
    } else {
    }
    return
  }
}

#map = affine_map<(d0, d1) -> (0, 0)>
#map1 = affine_map<(d0, d1) -> (0, 0, 0, 0)>
module attributes {stable_mosaic.version = 14 : i64} {
  func.func @_spmm_body(%arg0: i32, %arg1: i32, %arg2: memref<10240x128xf32, #tpu.memory_space<hbm>>, %arg3: memref<32x125x2x80xi32, #tpu.memory_space<hbm>>, %arg4: memref<640x128xf32, #tpu.memory_space<hbm>>, %arg5: memref<10240x128xf32, #tpu.memory_space<hbm>>, %arg6: memref<10240x128xf32, #tpu.memory_space<hbm>>, %arg7: memref<10240x128xf32, #tpu.memory_space<vmem_shared>>, %arg8: memref<2x80xi32, #tpu.memory_space<vmem>>, %arg9: memref<2x80xi32, #tpu.memory_space<vmem>>, %arg10: memref<2x80xi32, #tpu.memory_space<vmem>>, %arg11: memref<2x80xi32, #tpu.memory_space<vmem>>, %arg12: memref<80x128xf32, #tpu.memory_space<vmem>>, %arg13: memref<80x128xf32, #tpu.memory_space<vmem>>, %arg14: memref<!tpu.dma_semaphore, #tpu.memory_space<semaphore_mem>>, %arg15: memref<!tpu.dma_semaphore, #tpu.memory_space<semaphore_mem>>, %arg16: memref<!tpu.dma_semaphore, #tpu.memory_space<semaphore_mem>>, %arg17: memref<!tpu.dma_semaphore, #tpu.memory_space<semaphore_mem>>, %arg18: memref<!tpu.dma_semaphore, #tpu.memory_space<semaphore_mem>>, %arg19: memref<!tpu.dma_semaphore, #tpu.memory_space<semaphore_mem>>) attributes {dimension_semantics = [#tpu.dimension_semantics<core_parallel>, #tpu.dimension_semantics<subcore_parallel>], iteration_bounds = array<i64: 2, 16>, scalar_prefetch = 0 : i64, scratch_operands = 13 : i64, tpu.core_type = #tpu.core_type<sc_vector_subcore>, window_params = [{transform_indices = #map}, {transform_indices = #map1}, {transform_indices = #map}, {transform_indices = #map}, {transform_indices = #map}]} {
    %mul3A = arith.constant 16 : i32
    %mul3A_0 = arith.muli %arg0, %mul3A : i32
    %add3A = arith.addi %mul3A_0, %arg1 : i32
    %dma_start3A = arith.constant 0 : i32
    %dma_start3A_1 = arith.constant 0 : i32
    %dma_start3A_2 = arith.constant 0 : i32
    %dma_start3A_3 = tpu.memref_slice %arg3[%add3A, %dma_start3A, %dma_start3A_1, %dma_start3A_2] : memref<32x125x2x80xi32, #tpu.memory_space<hbm>> -> memref<1x1x2x80xi32, #tpu.memory_space<hbm>>
    %dma_start3A_4 = tpu.memref_squeeze %dma_start3A_3 : memref<1x1x2x80xi32, #tpu.memory_space<hbm>> -> memref<2x80xi32, #tpu.memory_space<hbm>>
    %dma_start3A_5 = arith.constant 0 : i32
    %dma_start3A_6 = arith.constant 0 : i32
    %dma_start3A_7 = tpu.memref_slice %arg3[%add3A, %dma_start3A, %dma_start3A_5, %dma_start3A_6] : memref<32x125x2x80xi32, #tpu.memory_space<hbm>> -> memref<1x1x2x80xi32, #tpu.memory_space<hbm>>
    %dma_start3A_8 = tpu.memref_squeeze %dma_start3A_7 : memref<1x1x2x80xi32, #tpu.memory_space<hbm>> -> memref<2x80xi32, #tpu.memory_space<hbm>>
    tpu.enqueue_dma source(%dma_start3A_8 : memref<2x80xi32, #tpu.memory_space<hbm>>) target(%arg8 : memref<2x80xi32, #tpu.memory_space<vmem>>) target_semaphore(%arg14 : memref<!tpu.dma_semaphore, #tpu.memory_space<semaphore_mem>>)
    %dma_start3A_9 = arith.constant 1 : i32
    %dma_start3A_10 = arith.constant 0 : i32
    %dma_start3A_11 = arith.constant 0 : i32
    %dma_start3A_12 = tpu.memref_slice %arg3[%add3A, %dma_start3A_9, %dma_start3A_10, %dma_start3A_11] : memref<32x125x2x80xi32, #tpu.memory_space<hbm>> -> memref<1x1x2x80xi32, #tpu.memory_space<hbm>>
    %dma_start3A_13 = tpu.memref_squeeze %dma_start3A_12 : memref<1x1x2x80xi32, #tpu.memory_space<hbm>> -> memref<2x80xi32, #tpu.memory_space<hbm>>
    %dma_start3A_14 = arith.constant 0 : i32
    %dma_start3A_15 = arith.constant 0 : i32
    %dma_start3A_16 = tpu.memref_slice %arg3[%add3A, %dma_start3A_9, %dma_start3A_14, %dma_start3A_15] : memref<32x125x2x80xi32, #tpu.memory_space<hbm>> -> memref<1x1x2x80xi32, #tpu.memory_space<hbm>>
    %dma_start3A_17 = tpu.memref_squeeze %dma_start3A_16 : memref<1x1x2x80xi32, #tpu.memory_space<hbm>> -> memref<2x80xi32, #tpu.memory_space<hbm>>
    tpu.enqueue_dma source(%dma_start3A_17 : memref<2x80xi32, #tpu.memory_space<hbm>>) target(%arg9 : memref<2x80xi32, #tpu.memory_space<vmem>>) target_semaphore(%arg15 : memref<!tpu.dma_semaphore, #tpu.memory_space<semaphore_mem>>)
    %dma_start3A_18 = arith.constant 2 : i32
    %dma_start3A_19 = arith.constant 0 : i32
    %dma_start3A_20 = arith.constant 0 : i32
    %dma_start3A_21 = tpu.memref_slice %arg3[%add3A, %dma_start3A_18, %dma_start3A_19, %dma_start3A_20] : memref<32x125x2x80xi32, #tpu.memory_space<hbm>> -> memref<1x1x2x80xi32, #tpu.memory_space<hbm>>
    %dma_start3A_22 = tpu.memref_squeeze %dma_start3A_21 : memref<1x1x2x80xi32, #tpu.memory_space<hbm>> -> memref<2x80xi32, #tpu.memory_space<hbm>>
    %dma_start3A_23 = arith.constant 0 : i32
    %dma_start3A_24 = arith.constant 0 : i32
    %dma_start3A_25 = tpu.memref_slice %arg3[%add3A, %dma_start3A_18, %dma_start3A_23, %dma_start3A_24] : memref<32x125x2x80xi32, #tpu.memory_space<hbm>> -> memref<1x1x2x80xi32, #tpu.memory_space<hbm>>
    %dma_start3A_26 = tpu.memref_squeeze %dma_start3A_25 : memref<1x1x2x80xi32, #tpu.memory_space<hbm>> -> memref<2x80xi32, #tpu.memory_space<hbm>>
    tpu.enqueue_dma source(%dma_start3A_26 : memref<2x80xi32, #tpu.memory_space<hbm>>) target(%arg10 : memref<2x80xi32, #tpu.memory_space<vmem>>) target_semaphore(%arg16 : memref<!tpu.dma_semaphore, #tpu.memory_space<semaphore_mem>>)
    %dma_start3A_27 = arith.constant 3 : i32
    %dma_start3A_28 = arith.constant 0 : i32
    %dma_start3A_29 = arith.constant 0 : i32
    %dma_start3A_30 = tpu.memref_slice %arg3[%add3A, %dma_start3A_27, %dma_start3A_28, %dma_start3A_29] : memref<32x125x2x80xi32, #tpu.memory_space<hbm>> -> memref<1x1x2x80xi32, #tpu.memory_space<hbm>>
    %dma_start3A_31 = tpu.memref_squeeze %dma_start3A_30 : memref<1x1x2x80xi32, #tpu.memory_space<hbm>> -> memref<2x80xi32, #tpu.memory_space<hbm>>
    %dma_start3A_32 = arith.constant 0 : i32
    %dma_start3A_33 = arith.constant 0 : i32
    %dma_start3A_34 = tpu.memref_slice %arg3[%add3A, %dma_start3A_27, %dma_start3A_32, %dma_start3A_33] : memref<32x125x2x80xi32, #tpu.memory_space<hbm>> -> memref<1x1x2x80xi32, #tpu.memory_space<hbm>>
    %dma_start3A_35 = tpu.memref_squeeze %dma_start3A_34 : memref<1x1x2x80xi32, #tpu.memory_space<hbm>> -> memref<2x80xi32, #tpu.memory_space<hbm>>
    tpu.enqueue_dma source(%dma_start3A_35 : memref<2x80xi32, #tpu.memory_space<hbm>>) target(%arg11 : memref<2x80xi32, #tpu.memory_space<vmem>>) target_semaphore(%arg17 : memref<!tpu.dma_semaphore, #tpu.memory_space<semaphore_mem>>)
    %mul3A_36 = arith.constant 640 : i32
    %mul3A_37 = arith.muli %arg1, %mul3A_36 : i32
    "tpu.region"() ({
      %run_scoped3A_88 = tpu.sem_alloc : memref<!tpu.dma_semaphore, #tpu.memory_space<semaphore_mem>>
      %dma_start3A_89 = arith.constant 0 : i32
      %dma_start3A_90 = tpu.memref_slice %arg7[%mul3A_37, %dma_start3A_89] : memref<10240x128xf32, #tpu.memory_space<vmem_shared>> -> memref<640x128xf32, #tpu.memory_space<vmem_shared>>
      tpu.enqueue_dma source(%arg4 : memref<640x128xf32, #tpu.memory_space<hbm>>) target(%dma_start3A_90 : memref<640x128xf32, #tpu.memory_space<vmem_shared>>) target_semaphore(%run_scoped3A_88 : memref<!tpu.dma_semaphore, #tpu.memory_space<semaphore_mem>>)
      %dma_wait3A_91 = arith.constant 0 : i32
      %dma_wait3A_92 = tpu.memref_slice %arg7[%mul3A_37, %dma_wait3A_91] : memref<10240x128xf32, #tpu.memory_space<vmem_shared>> -> memref<640x128xf32, #tpu.memory_space<vmem_shared>>
      tpu.wait_dma2 semaphore(%run_scoped3A_88 : memref<!tpu.dma_semaphore, #tpu.memory_space<semaphore_mem>>) src(%arg4 : memref<640x128xf32, #tpu.memory_space<hbm>>) dst(%dma_wait3A_92 : memref<640x128xf32, #tpu.memory_space<vmem_shared>>)
      tpu.yield
    }) : () -> ()
    %dma_wait3A = arith.constant 0 : i32
    %dma_wait3A_38 = arith.constant 0 : i32
    %dma_wait3A_39 = arith.constant 0 : i32
    %dma_wait3A_40 = tpu.memref_slice %arg3[%add3A, %dma_wait3A, %dma_wait3A_38, %dma_wait3A_39] : memref<32x125x2x80xi32, #tpu.memory_space<hbm>> -> memref<1x1x2x80xi32, #tpu.memory_space<hbm>>
    %dma_wait3A_41 = tpu.memref_squeeze %dma_wait3A_40 : memref<1x1x2x80xi32, #tpu.memory_space<hbm>> -> memref<2x80xi32, #tpu.memory_space<hbm>>
    %dma_wait3A_42 = arith.constant 0 : i32
    %dma_wait3A_43 = arith.constant 0 : i32
    %dma_wait3A_44 = tpu.memref_slice %arg3[%add3A, %dma_wait3A, %dma_wait3A_42, %dma_wait3A_43] : memref<32x125x2x80xi32, #tpu.memory_space<hbm>> -> memref<1x1x2x80xi32, #tpu.memory_space<hbm>>
    %dma_wait3A_45 = tpu.memref_squeeze %dma_wait3A_44 : memref<1x1x2x80xi32, #tpu.memory_space<hbm>> -> memref<2x80xi32, #tpu.memory_space<hbm>>
    tpu.wait_dma2 semaphore(%arg14 : memref<!tpu.dma_semaphore, #tpu.memory_space<semaphore_mem>>) src(%dma_wait3A_45 : memref<2x80xi32, #tpu.memory_space<hbm>>) dst(%arg8 : memref<2x80xi32, #tpu.memory_space<vmem>>)
    %dma_start3A_46 = arith.constant 0 : i32
    %dma_start3A_47 = arith.constant 0 : i32
    %dma_start3A_48 = tpu.memref_slice %arg8[%dma_start3A_46, %dma_start3A_47] : memref<2x80xi32, #tpu.memory_space<vmem>> -> memref<1x80xi32, #tpu.memory_space<vmem>>
    %dma_start3A_49 = tpu.memref_squeeze %dma_start3A_48 : memref<1x80xi32, #tpu.memory_space<vmem>> -> memref<80xi32, #tpu.memory_space<vmem>>
    %dma_start3A_50 = arith.constant 0 : i32
    %dma_start3A_51 = arith.constant 0 : i32
    %dma_start3A_52 = tpu.memref_slice %arg2[%dma_start3A_50, %dma_start3A_51] : memref<10240x128xf32, #tpu.memory_space<hbm>> -> memref<10240x128xf32, #tpu.memory_space<hbm>>
    tpu.enqueue_indirect_dma source(%dma_start3A_52 : memref<10240x128xf32, #tpu.memory_space<hbm>>) target(%arg12 : memref<80x128xf32, #tpu.memory_space<vmem>>) offsets(%dma_start3A_49 : memref<80xi32, #tpu.memory_space<vmem>>) semaphore(%arg18 : memref<!tpu.dma_semaphore, #tpu.memory_space<semaphore_mem>>)
    %dma_wait3A_53 = arith.constant 1 : i32
    %dma_wait3A_54 = arith.constant 0 : i32
    %dma_wait3A_55 = arith.constant 0 : i32
    %dma_wait3A_56 = tpu.memref_slice %arg3[%add3A, %dma_wait3A_53, %dma_wait3A_54, %dma_wait3A_55] : memref<32x125x2x80xi32, #tpu.memory_space<hbm>> -> memref<1x1x2x80xi32, #tpu.memory_space<hbm>>
    %dma_wait3A_57 = tpu.memref_squeeze %dma_wait3A_56 : memref<1x1x2x80xi32, #tpu.memory_space<hbm>> -> memref<2x80xi32, #tpu.memory_space<hbm>>
    %dma_wait3A_58 = arith.constant 0 : i32
    %dma_wait3A_59 = arith.constant 0 : i32
    %dma_wait3A_60 = tpu.memref_slice %arg3[%add3A, %dma_wait3A_53, %dma_wait3A_58, %dma_wait3A_59] : memref<32x125x2x80xi32, #tpu.memory_space<hbm>> -> memref<1x1x2x80xi32, #tpu.memory_space<hbm>>
    %dma_wait3A_61 = tpu.memref_squeeze %dma_wait3A_60 : memref<1x1x2x80xi32, #tpu.memory_space<hbm>> -> memref<2x80xi32, #tpu.memory_space<hbm>>
    tpu.wait_dma2 semaphore(%arg15 : memref<!tpu.dma_semaphore, #tpu.memory_space<semaphore_mem>>) src(%dma_wait3A_61 : memref<2x80xi32, #tpu.memory_space<hbm>>) dst(%arg9 : memref<2x80xi32, #tpu.memory_space<vmem>>)
    %dma_start3A_62 = arith.constant 0 : i32
    %dma_start3A_63 = arith.constant 0 : i32
    %dma_start3A_64 = tpu.memref_slice %arg9[%dma_start3A_62, %dma_start3A_63] : memref<2x80xi32, #tpu.memory_space<vmem>> -> memref<1x80xi32, #tpu.memory_space<vmem>>
    %dma_start3A_65 = tpu.memref_squeeze %dma_start3A_64 : memref<1x80xi32, #tpu.memory_space<vmem>> -> memref<80xi32, #tpu.memory_space<vmem>>
    %dma_start3A_66 = arith.constant 0 : i32
    %dma_start3A_67 = arith.constant 0 : i32
    %dma_start3A_68 = tpu.memref_slice %arg2[%dma_start3A_66, %dma_start3A_67] : memref<10240x128xf32, #tpu.memory_space<hbm>> -> memref<10240x128xf32, #tpu.memory_space<hbm>>
    tpu.enqueue_indirect_dma source(%dma_start3A_68 : memref<10240x128xf32, #tpu.memory_space<hbm>>) target(%arg13 : memref<80x128xf32, #tpu.memory_space<vmem>>) offsets(%dma_start3A_65 : memref<80xi32, #tpu.memory_space<vmem>>) semaphore(%arg19 : memref<!tpu.dma_semaphore, #tpu.memory_space<semaphore_mem>>)
    %barrier3A = arith.constant 0 : index
    tpu.barrier barrier_id(%barrier3A)
    %scan3A = arith.constant 0 : i32
    %scan3A_69 = arith.constant 31 : i32
    %scan3A_70 = arith.addi %scan3A, %scan3A_69 : i32
    %scan3A_71 = arith.constant 1 : i32
    scf.for %scan3A_88 = %scan3A to %scan3A_70 step %scan3A_71  : i32 {
      %mul3A_89 = arith.constant 4 : i32
      %mul3A_90 = arith.muli %scan3A_88, %mul3A_89 : i32
      %add3A_91 = arith.constant 0 : i32
      %add3A_92 = arith.addi %add3A_91, %mul3A_90 : i32
      %add3A_93 = arith.constant 0 : i32
      %add3A_94 = arith.addi %add3A_92, %add3A_93 : i32
      %dma_wait3A_95 = arith.constant 0 : i32
      %dma_wait3A_96 = arith.constant 0 : i32
      %dma_wait3A_97 = tpu.memref_slice %arg8[%dma_wait3A_95, %dma_wait3A_96] : memref<2x80xi32, #tpu.memory_space<vmem>> -> memref<1x80xi32, #tpu.memory_space<vmem>>
      %dma_wait3A_98 = tpu.memref_squeeze %dma_wait3A_97 : memref<1x80xi32, #tpu.memory_space<vmem>> -> memref<80xi32, #tpu.memory_space<vmem>>
      %dma_wait3A_99 = arith.constant 0 : i32
      %dma_wait3A_100 = arith.constant 0 : i32
      %dma_wait3A_101 = tpu.memref_slice %arg2[%dma_wait3A_99, %dma_wait3A_100] : memref<10240x128xf32, #tpu.memory_space<hbm>> -> memref<10240x128xf32, #tpu.memory_space<hbm>>
      tpu.wait_indirect_dma semaphore(%arg18 : memref<!tpu.dma_semaphore, #tpu.memory_space<semaphore_mem>>) src(%dma_wait3A_101 : memref<10240x128xf32, #tpu.memory_space<hbm>>) dst(%arg12 : memref<80x128xf32, #tpu.memory_space<vmem>>)
      %run_scoped3A_102 = arith.constant 1 : i32
      "tpu.region"() ({
        %run_scoped3A_188 = tpu.sem_alloc : memref<!tpu.dma_semaphore, #tpu.memory_space<semaphore_mem>>
        %dma_start3A_189 = arith.constant 0 : i32
        %dma_start3A_190 = tpu.memref_slice %arg8[%run_scoped3A_102, %dma_start3A_189] : memref<2x80xi32, #tpu.memory_space<vmem>> -> memref<1x80xi32, #tpu.memory_space<vmem>>
        %dma_start3A_191 = tpu.memref_squeeze %dma_start3A_190 : memref<1x80xi32, #tpu.memory_space<vmem>> -> memref<80xi32, #tpu.memory_space<vmem>>
        %dma_start3A_192 = arith.constant 0 : i32
        %dma_start3A_193 = arith.constant 0 : i32
        %dma_start3A_194 = tpu.memref_slice %arg7[%dma_start3A_192, %dma_start3A_193] : memref<10240x128xf32, #tpu.memory_space<vmem_shared>> -> memref<10240x128xf32, #tpu.memory_space<vmem_shared>>
        tpu.enqueue_indirect_dma source(%arg12 : memref<80x128xf32, #tpu.memory_space<vmem>>) target(%dma_start3A_194 : memref<10240x128xf32, #tpu.memory_space<vmem_shared>>) offsets(%dma_start3A_191 : memref<80xi32, #tpu.memory_space<vmem>>) semaphore(%run_scoped3A_188 : memref<!tpu.dma_semaphore, #tpu.memory_space<semaphore_mem>>) {add = true}
        %dma_wait3A_195 = arith.constant 0 : i32
        %dma_wait3A_196 = tpu.memref_slice %arg8[%run_scoped3A_102, %dma_wait3A_195] : memref<2x80xi32, #tpu.memory_space<vmem>> -> memref<1x80xi32, #tpu.memory_space<vmem>>
        %dma_wait3A_197 = tpu.memref_squeeze %dma_wait3A_196 : memref<1x80xi32, #tpu.memory_space<vmem>> -> memref<80xi32, #tpu.memory_space<vmem>>
        %dma_wait3A_198 = arith.constant 0 : i32
        %dma_wait3A_199 = arith.constant 0 : i32
        %dma_wait3A_200 = tpu.memref_slice %arg7[%dma_wait3A_198, %dma_wait3A_199] : memref<10240x128xf32, #tpu.memory_space<vmem_shared>> -> memref<10240x128xf32, #tpu.memory_space<vmem_shared>>
        tpu.wait_indirect_dma semaphore(%run_scoped3A_188 : memref<!tpu.dma_semaphore, #tpu.memory_space<semaphore_mem>>) src(%arg12 : memref<80x128xf32, #tpu.memory_space<vmem>>) dst(%dma_wait3A_200 : memref<10240x128xf32, #tpu.memory_space<vmem_shared>>)
        tpu.yield
      }) : () -> ()
      %add3A_103 = arith.constant 4 : i32
      %add3A_104 = arith.addi %add3A_94, %add3A_103 : i32
      %lt3A = arith.constant 125 : i32
      %lt3A_105 = arith.cmpi slt, %add3A_104, %lt3A : i32
      %convert_element_type3A_106 = arith.extui %lt3A_105 : i1 to i32
      %cond3A_107 = arith.constant 0 : i32
      %cond3A_108 = arith.cmpi ne, %convert_element_type3A_106, %cond3A_107 : i32
      scf.if %cond3A_108 {
        %add3A_188 = arith.constant 4 : i32
        %add3A_189 = arith.addi %add3A_94, %add3A_188 : i32
        %dma_start3A_190 = arith.constant 0 : i32
        %dma_start3A_191 = arith.constant 0 : i32
        %dma_start3A_192 = tpu.memref_slice %arg3[%add3A, %add3A_189, %dma_start3A_190, %dma_start3A_191] : memref<32x125x2x80xi32, #tpu.memory_space<hbm>> -> memref<1x1x2x80xi32, #tpu.memory_space<hbm>>
        %dma_start3A_193 = tpu.memref_squeeze %dma_start3A_192 : memref<1x1x2x80xi32, #tpu.memory_space<hbm>> -> memref<2x80xi32, #tpu.memory_space<hbm>>
        %dma_start3A_194 = arith.constant 0 : i32
        %dma_start3A_195 = arith.constant 0 : i32
        %dma_start3A_196 = tpu.memref_slice %arg3[%add3A, %add3A_189, %dma_start3A_194, %dma_start3A_195] : memref<32x125x2x80xi32, #tpu.memory_space<hbm>> -> memref<1x1x2x80xi32, #tpu.memory_space<hbm>>
        %dma_start3A_197 = tpu.memref_squeeze %dma_start3A_196 : memref<1x1x2x80xi32, #tpu.memory_space<hbm>> -> memref<2x80xi32, #tpu.memory_space<hbm>>
        tpu.enqueue_dma source(%dma_start3A_197 : memref<2x80xi32, #tpu.memory_space<hbm>>) target(%arg8 : memref<2x80xi32, #tpu.memory_space<vmem>>) target_semaphore(%arg14 : memref<!tpu.dma_semaphore, #tpu.memory_space<semaphore_mem>>)
      } else {
      }
      %add3A_109 = arith.constant 2 : i32
      %add3A_110 = arith.addi %add3A_94, %add3A_109 : i32
      %lt3A_111 = arith.constant 125 : i32
      %lt3A_112 = arith.cmpi slt, %add3A_110, %lt3A_111 : i32
      %convert_element_type3A_113 = arith.extui %lt3A_112 : i1 to i32
      %cond3A_114 = arith.constant 0 : i32
      %cond3A_115 = arith.cmpi ne, %convert_element_type3A_113, %cond3A_114 : i32
      scf.if %cond3A_115 {
        %add3A_188 = arith.constant 2 : i32
        %add3A_189 = arith.addi %add3A_94, %add3A_188 : i32
        %dma_wait3A_190 = arith.constant 0 : i32
        %dma_wait3A_191 = arith.constant 0 : i32
        %dma_wait3A_192 = tpu.memref_slice %arg3[%add3A, %add3A_189, %dma_wait3A_190, %dma_wait3A_191] : memref<32x125x2x80xi32, #tpu.memory_space<hbm>> -> memref<1x1x2x80xi32, #tpu.memory_space<hbm>>
        %dma_wait3A_193 = tpu.memref_squeeze %dma_wait3A_192 : memref<1x1x2x80xi32, #tpu.memory_space<hbm>> -> memref<2x80xi32, #tpu.memory_space<hbm>>
        %dma_wait3A_194 = arith.constant 0 : i32
        %dma_wait3A_195 = arith.constant 0 : i32
        %dma_wait3A_196 = tpu.memref_slice %arg3[%add3A, %add3A_189, %dma_wait3A_194, %dma_wait3A_195] : memref<32x125x2x80xi32, #tpu.memory_space<hbm>> -> memref<1x1x2x80xi32, #tpu.memory_space<hbm>>
        %dma_wait3A_197 = tpu.memref_squeeze %dma_wait3A_196 : memref<1x1x2x80xi32, #tpu.memory_space<hbm>> -> memref<2x80xi32, #tpu.memory_space<hbm>>
        tpu.wait_dma2 semaphore(%arg16 : memref<!tpu.dma_semaphore, #tpu.memory_space<semaphore_mem>>) src(%dma_wait3A_197 : memref<2x80xi32, #tpu.memory_space<hbm>>) dst(%arg10 : memref<2x80xi32, #tpu.memory_space<vmem>>)
        %dma_start3A_198 = arith.constant 0 : i32
        %dma_start3A_199 = arith.constant 0 : i32
        %dma_start3A_200 = tpu.memref_slice %arg10[%dma_start3A_198, %dma_start3A_199] : memref<2x80xi32, #tpu.memory_space<vmem>> -> memref<1x80xi32, #tpu.memory_space<vmem>>
        %dma_start3A_201 = tpu.memref_squeeze %dma_start3A_200 : memref<1x80xi32, #tpu.memory_space<vmem>> -> memref<80xi32, #tpu.memory_space<vmem>>
        %dma_start3A_202 = arith.constant 0 : i32
        %dma_start3A_203 = arith.constant 0 : i32
        %dma_start3A_204 = tpu.memref_slice %arg2[%dma_start3A_202, %dma_start3A_203] : memref<10240x128xf32, #tpu.memory_space<hbm>> -> memref<10240x128xf32, #tpu.memory_space<hbm>>
        tpu.enqueue_indirect_dma source(%dma_start3A_204 : memref<10240x128xf32, #tpu.memory_space<hbm>>) target(%arg12 : memref<80x128xf32, #tpu.memory_space<vmem>>) offsets(%dma_start3A_201 : memref<80xi32, #tpu.memory_space<vmem>>) semaphore(%arg18 : memref<!tpu.dma_semaphore, #tpu.memory_space<semaphore_mem>>)
      } else {
      }
      %add3A_116 = arith.constant 1 : i32
      %add3A_117 = arith.addi %add3A_92, %add3A_116 : i32
      %dma_wait3A_118 = arith.constant 0 : i32
      %dma_wait3A_119 = arith.constant 0 : i32
      %dma_wait3A_120 = tpu.memref_slice %arg9[%dma_wait3A_118, %dma_wait3A_119] : memref<2x80xi32, #tpu.memory_space<vmem>> -> memref<1x80xi32, #tpu.memory_space<vmem>>
      %dma_wait3A_121 = tpu.memref_squeeze %dma_wait3A_120 : memref<1x80xi32, #tpu.memory_space<vmem>> -> memref<80xi32, #tpu.memory_space<vmem>>
      %dma_wait3A_122 = arith.constant 0 : i32
      %dma_wait3A_123 = arith.constant 0 : i32
      %dma_wait3A_124 = tpu.memref_slice %arg2[%dma_wait3A_122, %dma_wait3A_123] : memref<10240x128xf32, #tpu.memory_space<hbm>> -> memref<10240x128xf32, #tpu.memory_space<hbm>>
      tpu.wait_indirect_dma semaphore(%arg19 : memref<!tpu.dma_semaphore, #tpu.memory_space<semaphore_mem>>) src(%dma_wait3A_124 : memref<10240x128xf32, #tpu.memory_space<hbm>>) dst(%arg13 : memref<80x128xf32, #tpu.memory_space<vmem>>)
      %run_scoped3A_125 = arith.constant 1 : i32
      "tpu.region"() ({
        %run_scoped3A_188 = tpu.sem_alloc : memref<!tpu.dma_semaphore, #tpu.memory_space<semaphore_mem>>
        %dma_start3A_189 = arith.constant 0 : i32
        %dma_start3A_190 = tpu.memref_slice %arg9[%run_scoped3A_125, %dma_start3A_189] : memref<2x80xi32, #tpu.memory_space<vmem>> -> memref<1x80xi32, #tpu.memory_space<vmem>>
        %dma_start3A_191 = tpu.memref_squeeze %dma_start3A_190 : memref<1x80xi32, #tpu.memory_space<vmem>> -> memref<80xi32, #tpu.memory_space<vmem>>
        %dma_start3A_192 = arith.constant 0 : i32
        %dma_start3A_193 = arith.constant 0 : i32
        %dma_start3A_194 = tpu.memref_slice %arg7[%dma_start3A_192, %dma_start3A_193] : memref<10240x128xf32, #tpu.memory_space<vmem_shared>> -> memref<10240x128xf32, #tpu.memory_space<vmem_shared>>
        tpu.enqueue_indirect_dma source(%arg13 : memref<80x128xf32, #tpu.memory_space<vmem>>) target(%dma_start3A_194 : memref<10240x128xf32, #tpu.memory_space<vmem_shared>>) offsets(%dma_start3A_191 : memref<80xi32, #tpu.memory_space<vmem>>) semaphore(%run_scoped3A_188 : memref<!tpu.dma_semaphore, #tpu.memory_space<semaphore_mem>>) {add = true}
        %dma_wait3A_195 = arith.constant 0 : i32
        %dma_wait3A_196 = tpu.memref_slice %arg9[%run_scoped3A_125, %dma_wait3A_195] : memref<2x80xi32, #tpu.memory_space<vmem>> -> memref<1x80xi32, #tpu.memory_space<vmem>>
        %dma_wait3A_197 = tpu.memref_squeeze %dma_wait3A_196 : memref<1x80xi32, #tpu.memory_space<vmem>> -> memref<80xi32, #tpu.memory_space<vmem>>
        %dma_wait3A_198 = arith.constant 0 : i32
        %dma_wait3A_199 = arith.constant 0 : i32
        %dma_wait3A_200 = tpu.memref_slice %arg7[%dma_wait3A_198, %dma_wait3A_199] : memref<10240x128xf32, #tpu.memory_space<vmem_shared>> -> memref<10240x128xf32, #tpu.memory_space<vmem_shared>>
        tpu.wait_indirect_dma semaphore(%run_scoped3A_188 : memref<!tpu.dma_semaphore, #tpu.memory_space<semaphore_mem>>) src(%arg13 : memref<80x128xf32, #tpu.memory_space<vmem>>) dst(%dma_wait3A_200 : memref<10240x128xf32, #tpu.memory_space<vmem_shared>>)
        tpu.yield
      }) : () -> ()
      %add3A_126 = arith.constant 4 : i32
      %add3A_127 = arith.addi %add3A_117, %add3A_126 : i32
      %lt3A_128 = arith.constant 125 : i32
      %lt3A_129 = arith.cmpi slt, %add3A_127, %lt3A_128 : i32
      %convert_element_type3A_130 = arith.extui %lt3A_129 : i1 to i32
      %cond3A_131 = arith.constant 0 : i32
      %cond3A_132 = arith.cmpi ne, %convert_element_type3A_130, %cond3A_131 : i32
      scf.if %cond3A_132 {
        %add3A_188 = arith.constant 4 : i32
        %add3A_189 = arith.addi %add3A_117, %add3A_188 : i32
        %dma_start3A_190 = arith.constant 0 : i32
        %dma_start3A_191 = arith.constant 0 : i32
        %dma_start3A_192 = tpu.memref_slice %arg3[%add3A, %add3A_189, %dma_start3A_190, %dma_start3A_191] : memref<32x125x2x80xi32, #tpu.memory_space<hbm>> -> memref<1x1x2x80xi32, #tpu.memory_space<hbm>>
        %dma_start3A_193 = tpu.memref_squeeze %dma_start3A_192 : memref<1x1x2x80xi32, #tpu.memory_space<hbm>> -> memref<2x80xi32, #tpu.memory_space<hbm>>
        %dma_start3A_194 = arith.constant 0 : i32
        %dma_start3A_195 = arith.constant 0 : i32
        %dma_start3A_196 = tpu.memref_slice %arg3[%add3A, %add3A_189, %dma_start3A_194, %dma_start3A_195] : memref<32x125x2x80xi32, #tpu.memory_space<hbm>> -> memref<1x1x2x80xi32, #tpu.memory_space<hbm>>
        %dma_start3A_197 = tpu.memref_squeeze %dma_start3A_196 : memref<1x1x2x80xi32, #tpu.memory_space<hbm>> -> memref<2x80xi32, #tpu.memory_space<hbm>>
        tpu.enqueue_dma source(%dma_start3A_197 : memref<2x80xi32, #tpu.memory_space<hbm>>) target(%arg9 : memref<2x80xi32, #tpu.memory_space<vmem>>) target_semaphore(%arg15 : memref<!tpu.dma_semaphore, #tpu.memory_space<semaphore_mem>>)
      } else {
      }
      %add3A_133 = arith.constant 2 : i32
      %add3A_134 = arith.addi %add3A_117, %add3A_133 : i32
      %lt3A_135 = arith.constant 125 : i32
      %lt3A_136 = arith.cmpi slt, %add3A_134, %lt3A_135 : i32
      %convert_element_type3A_137 = arith.extui %lt3A_136 : i1 to i32
      %cond3A_138 = arith.constant 0 : i32
      %cond3A_139 = arith.cmpi ne, %convert_element_type3A_137, %cond3A_138 : i32
      scf.if %cond3A_139 {
        %add3A_188 = arith.constant 2 : i32
        %add3A_189 = arith.addi %add3A_117, %add3A_188 : i32
        %dma_wait3A_190 = arith.constant 0 : i32
        %dma_wait3A_191 = arith.constant 0 : i32
        %dma_wait3A_192 = tpu.memref_slice %arg3[%add3A, %add3A_189, %dma_wait3A_190, %dma_wait3A_191] : memref<32x125x2x80xi32, #tpu.memory_space<hbm>> -> memref<1x1x2x80xi32, #tpu.memory_space<hbm>>
        %dma_wait3A_193 = tpu.memref_squeeze %dma_wait3A_192 : memref<1x1x2x80xi32, #tpu.memory_space<hbm>> -> memref<2x80xi32, #tpu.memory_space<hbm>>
        %dma_wait3A_194 = arith.constant 0 : i32
        %dma_wait3A_195 = arith.constant 0 : i32
        %dma_wait3A_196 = tpu.memref_slice %arg3[%add3A, %add3A_189, %dma_wait3A_194, %dma_wait3A_195] : memref<32x125x2x80xi32, #tpu.memory_space<hbm>> -> memref<1x1x2x80xi32, #tpu.memory_space<hbm>>
        %dma_wait3A_197 = tpu.memref_squeeze %dma_wait3A_196 : memref<1x1x2x80xi32, #tpu.memory_space<hbm>> -> memref<2x80xi32, #tpu.memory_space<hbm>>
        tpu.wait_dma2 semaphore(%arg17 : memref<!tpu.dma_semaphore, #tpu.memory_space<semaphore_mem>>) src(%dma_wait3A_197 : memref<2x80xi32, #tpu.memory_space<hbm>>) dst(%arg11 : memref<2x80xi32, #tpu.memory_space<vmem>>)
        %dma_start3A_198 = arith.constant 0 : i32
        %dma_start3A_199 = arith.constant 0 : i32
        %dma_start3A_200 = tpu.memref_slice %arg11[%dma_start3A_198, %dma_start3A_199] : memref<2x80xi32, #tpu.memory_space<vmem>> -> memref<1x80xi32, #tpu.memory_space<vmem>>
        %dma_start3A_201 = tpu.memref_squeeze %dma_start3A_200 : memref<1x80xi32, #tpu.memory_space<vmem>> -> memref<80xi32, #tpu.memory_space<vmem>>
        %dma_start3A_202 = arith.constant 0 : i32
        %dma_start3A_203 = arith.constant 0 : i32
        %dma_start3A_204 = tpu.memref_slice %arg2[%dma_start3A_202, %dma_start3A_203] : memref<10240x128xf32, #tpu.memory_space<hbm>> -> memref<10240x128xf32, #tpu.memory_space<hbm>>
        tpu.enqueue_indirect_dma source(%dma_start3A_204 : memref<10240x128xf32, #tpu.memory_space<hbm>>) target(%arg13 : memref<80x128xf32, #tpu.memory_space<vmem>>) offsets(%dma_start3A_201 : memref<80xi32, #tpu.memory_space<vmem>>) semaphore(%arg19 : memref<!tpu.dma_semaphore, #tpu.memory_space<semaphore_mem>>)
      } else {
      }
      %add3A_140 = arith.constant 2 : i32
      %add3A_141 = arith.addi %add3A_92, %add3A_140 : i32
      %dma_wait3A_142 = arith.constant 0 : i32
      %dma_wait3A_143 = arith.constant 0 : i32
      %dma_wait3A_144 = tpu.memref_slice %arg10[%dma_wait3A_142, %dma_wait3A_143] : memref<2x80xi32, #tpu.memory_space<vmem>> -> memref<1x80xi32, #tpu.memory_space<vmem>>
      %dma_wait3A_145 = tpu.memref_squeeze %dma_wait3A_144 : memref<1x80xi32, #tpu.memory_space<vmem>> -> memref<80xi32, #tpu.memory_space<vmem>>
      %dma_wait3A_146 = arith.constant 0 : i32
      %dma_wait3A_147 = arith.constant 0 : i32
      %dma_wait3A_148 = tpu.memref_slice %arg2[%dma_wait3A_146, %dma_wait3A_147] : memref<10240x128xf32, #tpu.memory_space<hbm>> -> memref<10240x128xf32, #tpu.memory_space<hbm>>
      tpu.wait_indirect_dma semaphore(%arg18 : memref<!tpu.dma_semaphore, #tpu.memory_space<semaphore_mem>>) src(%dma_wait3A_148 : memref<10240x128xf32, #tpu.memory_space<hbm>>) dst(%arg12 : memref<80x128xf32, #tpu.memory_space<vmem>>)
      %run_scoped3A_149 = arith.constant 1 : i32
      "tpu.region"() ({
        %run_scoped3A_188 = tpu.sem_alloc : memref<!tpu.dma_semaphore, #tpu.memory_space<semaphore_mem>>
        %dma_start3A_189 = arith.constant 0 : i32
        %dma_start3A_190 = tpu.memref_slice %arg10[%run_scoped3A_149, %dma_start3A_189] : memref<2x80xi32, #tpu.memory_space<vmem>> -> memref<1x80xi32, #tpu.memory_space<vmem>>
        %dma_start3A_191 = tpu.memref_squeeze %dma_start3A_190 : memref<1x80xi32, #tpu.memory_space<vmem>> -> memref<80xi32, #tpu.memory_space<vmem>>
        %dma_start3A_192 = arith.constant 0 : i32
        %dma_start3A_193 = arith.constant 0 : i32
        %dma_start3A_194 = tpu.memref_slice %arg7[%dma_start3A_192, %dma_start3A_193] : memref<10240x128xf32, #tpu.memory_space<vmem_shared>> -> memref<10240x128xf32, #tpu.memory_space<vmem_shared>>
        tpu.enqueue_indirect_dma source(%arg12 : memref<80x128xf32, #tpu.memory_space<vmem>>) target(%dma_start3A_194 : memref<10240x128xf32, #tpu.memory_space<vmem_shared>>) offsets(%dma_start3A_191 : memref<80xi32, #tpu.memory_space<vmem>>) semaphore(%run_scoped3A_188 : memref<!tpu.dma_semaphore, #tpu.memory_space<semaphore_mem>>) {add = true}
        %dma_wait3A_195 = arith.constant 0 : i32
        %dma_wait3A_196 = tpu.memref_slice %arg10[%run_scoped3A_149, %dma_wait3A_195] : memref<2x80xi32, #tpu.memory_space<vmem>> -> memref<1x80xi32, #tpu.memory_space<vmem>>
        %dma_wait3A_197 = tpu.memref_squeeze %dma_wait3A_196 : memref<1x80xi32, #tpu.memory_space<vmem>> -> memref<80xi32, #tpu.memory_space<vmem>>
        %dma_wait3A_198 = arith.constant 0 : i32
        %dma_wait3A_199 = arith.constant 0 : i32
        %dma_wait3A_200 = tpu.memref_slice %arg7[%dma_wait3A_198, %dma_wait3A_199] : memref<10240x128xf32, #tpu.memory_space<vmem_shared>> -> memref<10240x128xf32, #tpu.memory_space<vmem_shared>>
        tpu.wait_indirect_dma semaphore(%run_scoped3A_188 : memref<!tpu.dma_semaphore, #tpu.memory_space<semaphore_mem>>) src(%arg12 : memref<80x128xf32, #tpu.memory_space<vmem>>) dst(%dma_wait3A_200 : memref<10240x128xf32, #tpu.memory_space<vmem_shared>>)
        tpu.yield
      }) : () -> ()
      %add3A_150 = arith.constant 4 : i32
      %add3A_151 = arith.addi %add3A_141, %add3A_150 : i32
      %lt3A_152 = arith.constant 125 : i32
      %lt3A_153 = arith.cmpi slt, %add3A_151, %lt3A_152 : i32
      %convert_element_type3A_154 = arith.extui %lt3A_153 : i1 to i32
      %cond3A_155 = arith.constant 0 : i32
      %cond3A_156 = arith.cmpi ne, %convert_element_type3A_154, %cond3A_155 : i32
      scf.if %cond3A_156 {
        %add3A_188 = arith.constant 4 : i32
        %add3A_189 = arith.addi %add3A_141, %add3A_188 : i32
        %dma_start3A_190 = arith.constant 0 : i32
        %dma_start3A_191 = arith.constant 0 : i32
        %dma_start3A_192 = tpu.memref_slice %arg3[%add3A, %add3A_189, %dma_start3A_190, %dma_start3A_191] : memref<32x125x2x80xi32, #tpu.memory_space<hbm>> -> memref<1x1x2x80xi32, #tpu.memory_space<hbm>>
        %dma_start3A_193 = tpu.memref_squeeze %dma_start3A_192 : memref<1x1x2x80xi32, #tpu.memory_space<hbm>> -> memref<2x80xi32, #tpu.memory_space<hbm>>
        %dma_start3A_194 = arith.constant 0 : i32
        %dma_start3A_195 = arith.constant 0 : i32
        %dma_start3A_196 = tpu.memref_slice %arg3[%add3A, %add3A_189, %dma_start3A_194, %dma_start3A_195] : memref<32x125x2x80xi32, #tpu.memory_space<hbm>> -> memref<1x1x2x80xi32, #tpu.memory_space<hbm>>
        %dma_start3A_197 = tpu.memref_squeeze %dma_start3A_196 : memref<1x1x2x80xi32, #tpu.memory_space<hbm>> -> memref<2x80xi32, #tpu.memory_space<hbm>>
        tpu.enqueue_dma source(%dma_start3A_197 : memref<2x80xi32, #tpu.memory_space<hbm>>) target(%arg10 : memref<2x80xi32, #tpu.memory_space<vmem>>) target_semaphore(%arg16 : memref<!tpu.dma_semaphore, #tpu.memory_space<semaphore_mem>>)
      } else {
      }
      %add3A_157 = arith.constant 2 : i32
      %add3A_158 = arith.addi %add3A_141, %add3A_157 : i32
      %lt3A_159 = arith.constant 125 : i32
      %lt3A_160 = arith.cmpi slt, %add3A_158, %lt3A_159 : i32
      %convert_element_type3A_161 = arith.extui %lt3A_160 : i1 to i32
      %cond3A_162 = arith.constant 0 : i32
      %cond3A_163 = arith.cmpi ne, %convert_element_type3A_161, %cond3A_162 : i32
      scf.if %cond3A_163 {
        %add3A_188 = arith.constant 2 : i32
        %add3A_189 = arith.addi %add3A_141, %add3A_188 : i32
        %dma_wait3A_190 = arith.constant 0 : i32
        %dma_wait3A_191 = arith.constant 0 : i32
        %dma_wait3A_192 = tpu.memref_slice %arg3[%add3A, %add3A_189, %dma_wait3A_190, %dma_wait3A_191] : memref<32x125x2x80xi32, #tpu.memory_space<hbm>> -> memref<1x1x2x80xi32, #tpu.memory_space<hbm>>
        %dma_wait3A_193 = tpu.memref_squeeze %dma_wait3A_192 : memref<1x1x2x80xi32, #tpu.memory_space<hbm>> -> memref<2x80xi32, #tpu.memory_space<hbm>>
        %dma_wait3A_194 = arith.constant 0 : i32
        %dma_wait3A_195 = arith.constant 0 : i32
        %dma_wait3A_196 = tpu.memref_slice %arg3[%add3A, %add3A_189, %dma_wait3A_194, %dma_wait3A_195] : memref<32x125x2x80xi32, #tpu.memory_space<hbm>> -> memref<1x1x2x80xi32, #tpu.memory_space<hbm>>
        %dma_wait3A_197 = tpu.memref_squeeze %dma_wait3A_196 : memref<1x1x2x80xi32, #tpu.memory_space<hbm>> -> memref<2x80xi32, #tpu.memory_space<hbm>>
        tpu.wait_dma2 semaphore(%arg14 : memref<!tpu.dma_semaphore, #tpu.memory_space<semaphore_mem>>) src(%dma_wait3A_197 : memref<2x80xi32, #tpu.memory_space<hbm>>) dst(%arg8 : memref<2x80xi32, #tpu.memory_space<vmem>>)
        %dma_start3A_198 = arith.constant 0 : i32
        %dma_start3A_199 = arith.constant 0 : i32
        %dma_start3A_200 = tpu.memref_slice %arg8[%dma_start3A_198, %dma_start3A_199] : memref<2x80xi32, #tpu.memory_space<vmem>> -> memref<1x80xi32, #tpu.memory_space<vmem>>
        %dma_start3A_201 = tpu.memref_squeeze %dma_start3A_200 : memref<1x80xi32, #tpu.memory_space<vmem>> -> memref<80xi32, #tpu.memory_space<vmem>>
        %dma_start3A_202 = arith.constant 0 : i32
        %dma_start3A_203 = arith.constant 0 : i32
        %dma_start3A_204 = tpu.memref_slice %arg2[%dma_start3A_202, %dma_start3A_203] : memref<10240x128xf32, #tpu.memory_space<hbm>> -> memref<10240x128xf32, #tpu.memory_space<hbm>>
        tpu.enqueue_indirect_dma source(%dma_start3A_204 : memref<10240x128xf32, #tpu.memory_space<hbm>>) target(%arg12 : memref<80x128xf32, #tpu.memory_space<vmem>>) offsets(%dma_start3A_201 : memref<80xi32, #tpu.memory_space<vmem>>) semaphore(%arg18 : memref<!tpu.dma_semaphore, #tpu.memory_space<semaphore_mem>>)
      } else {
      }
      %add3A_164 = arith.constant 3 : i32
      %add3A_165 = arith.addi %add3A_92, %add3A_164 : i32
      %dma_wait3A_166 = arith.constant 0 : i32
      %dma_wait3A_167 = arith.constant 0 : i32
      %dma_wait3A_168 = tpu.memref_slice %arg11[%dma_wait3A_166, %dma_wait3A_167] : memref<2x80xi32, #tpu.memory_space<vmem>> -> memref<1x80xi32, #tpu.memory_space<vmem>>
      %dma_wait3A_169 = tpu.memref_squeeze %dma_wait3A_168 : memref<1x80xi32, #tpu.memory_space<vmem>> -> memref<80xi32, #tpu.memory_space<vmem>>
      %dma_wait3A_170 = arith.constant 0 : i32
      %dma_wait3A_171 = arith.constant 0 : i32
      %dma_wait3A_172 = tpu.memref_slice %arg2[%dma_wait3A_170, %dma_wait3A_171] : memref<10240x128xf32, #tpu.memory_space<hbm>> -> memref<10240x128xf32, #tpu.memory_space<hbm>>
      tpu.wait_indirect_dma semaphore(%arg19 : memref<!tpu.dma_semaphore, #tpu.memory_space<semaphore_mem>>) src(%dma_wait3A_172 : memref<10240x128xf32, #tpu.memory_space<hbm>>) dst(%arg13 : memref<80x128xf32, #tpu.memory_space<vmem>>)
      %run_scoped3A_173 = arith.constant 1 : i32
      "tpu.region"() ({
        %run_scoped3A_188 = tpu.sem_alloc : memref<!tpu.dma_semaphore, #tpu.memory_space<semaphore_mem>>
        %dma_start3A_189 = arith.constant 0 : i32
        %dma_start3A_190 = tpu.memref_slice %arg11[%run_scoped3A_173, %dma_start3A_189] : memref<2x80xi32, #tpu.memory_space<vmem>> -> memref<1x80xi32, #tpu.memory_space<vmem>>
        %dma_start3A_191 = tpu.memref_squeeze %dma_start3A_190 : memref<1x80xi32, #tpu.memory_space<vmem>> -> memref<80xi32, #tpu.memory_space<vmem>>
        %dma_start3A_192 = arith.constant 0 : i32
        %dma_start3A_193 = arith.constant 0 : i32
        %dma_start3A_194 = tpu.memref_slice %arg7[%dma_start3A_192, %dma_start3A_193] : memref<10240x128xf32, #tpu.memory_space<vmem_shared>> -> memref<10240x128xf32, #tpu.memory_space<vmem_shared>>
        tpu.enqueue_indirect_dma source(%arg13 : memref<80x128xf32, #tpu.memory_space<vmem>>) target(%dma_start3A_194 : memref<10240x128xf32, #tpu.memory_space<vmem_shared>>) offsets(%dma_start3A_191 : memref<80xi32, #tpu.memory_space<vmem>>) semaphore(%run_scoped3A_188 : memref<!tpu.dma_semaphore, #tpu.memory_space<semaphore_mem>>) {add = true}
        %dma_wait3A_195 = arith.constant 0 : i32
        %dma_wait3A_196 = tpu.memref_slice %arg11[%run_scoped3A_173, %dma_wait3A_195] : memref<2x80xi32, #tpu.memory_space<vmem>> -> memref<1x80xi32, #tpu.memory_space<vmem>>
        %dma_wait3A_197 = tpu.memref_squeeze %dma_wait3A_196 : memref<1x80xi32, #tpu.memory_space<vmem>> -> memref<80xi32, #tpu.memory_space<vmem>>
        %dma_wait3A_198 = arith.constant 0 : i32
        %dma_wait3A_199 = arith.constant 0 : i32
        %dma_wait3A_200 = tpu.memref_slice %arg7[%dma_wait3A_198, %dma_wait3A_199] : memref<10240x128xf32, #tpu.memory_space<vmem_shared>> -> memref<10240x128xf32, #tpu.memory_space<vmem_shared>>
        tpu.wait_indirect_dma semaphore(%run_scoped3A_188 : memref<!tpu.dma_semaphore, #tpu.memory_space<semaphore_mem>>) src(%arg13 : memref<80x128xf32, #tpu.memory_space<vmem>>) dst(%dma_wait3A_200 : memref<10240x128xf32, #tpu.memory_space<vmem_shared>>)
        tpu.yield
      }) : () -> ()
      %add3A_174 = arith.constant 4 : i32
      %add3A_175 = arith.addi %add3A_165, %add3A_174 : i32
      %lt3A_176 = arith.constant 125 : i32
      %lt3A_177 = arith.cmpi slt, %add3A_175, %lt3A_176 : i32
      %convert_element_type3A_178 = arith.extui %lt3A_177 : i1 to i32
      %cond3A_179 = arith.constant 0 : i32
      %cond3A_180 = arith.cmpi ne, %convert_element_type3A_178, %cond3A_179 : i32
      scf.if %cond3A_180 {
        %add3A_188 = arith.constant 4 : i32
        %add3A_189 = arith.addi %add3A_165, %add3A_188 : i32
        %dma_start3A_190 = arith.constant 0 : i32
        %dma_start3A_191 = arith.constant 0 : i32
        %dma_start3A_192 = tpu.memref_slice %arg3[%add3A, %add3A_189, %dma_start3A_190, %dma_start3A_191] : memref<32x125x2x80xi32, #tpu.memory_space<hbm>> -> memref<1x1x2x80xi32, #tpu.memory_space<hbm>>
        %dma_start3A_193 = tpu.memref_squeeze %dma_start3A_192 : memref<1x1x2x80xi32, #tpu.memory_space<hbm>> -> memref<2x80xi32, #tpu.memory_space<hbm>>
        %dma_start3A_194 = arith.constant 0 : i32
        %dma_start3A_195 = arith.constant 0 : i32
        %dma_start3A_196 = tpu.memref_slice %arg3[%add3A, %add3A_189, %dma_start3A_194, %dma_start3A_195] : memref<32x125x2x80xi32, #tpu.memory_space<hbm>> -> memref<1x1x2x80xi32, #tpu.memory_space<hbm>>
        %dma_start3A_197 = tpu.memref_squeeze %dma_start3A_196 : memref<1x1x2x80xi32, #tpu.memory_space<hbm>> -> memref<2x80xi32, #tpu.memory_space<hbm>>
        tpu.enqueue_dma source(%dma_start3A_197 : memref<2x80xi32, #tpu.memory_space<hbm>>) target(%arg11 : memref<2x80xi32, #tpu.memory_space<vmem>>) target_semaphore(%arg17 : memref<!tpu.dma_semaphore, #tpu.memory_space<semaphore_mem>>)
      } else {
      }
      %add3A_181 = arith.constant 2 : i32
      %add3A_182 = arith.addi %add3A_165, %add3A_181 : i32
      %lt3A_183 = arith.constant 125 : i32
      %lt3A_184 = arith.cmpi slt, %add3A_182, %lt3A_183 : i32
      %convert_element_type3A_185 = arith.extui %lt3A_184 : i1 to i32
      %cond3A_186 = arith.constant 0 : i32
      %cond3A_187 = arith.cmpi ne, %convert_element_type3A_185, %cond3A_186 : i32
      scf.if %cond3A_187 {
        %add3A_188 = arith.constant 2 : i32
        %add3A_189 = arith.addi %add3A_165, %add3A_188 : i32
        %dma_wait3A_190 = arith.constant 0 : i32
        %dma_wait3A_191 = arith.constant 0 : i32
        %dma_wait3A_192 = tpu.memref_slice %arg3[%add3A, %add3A_189, %dma_wait3A_190, %dma_wait3A_191] : memref<32x125x2x80xi32, #tpu.memory_space<hbm>> -> memref<1x1x2x80xi32, #tpu.memory_space<hbm>>
        %dma_wait3A_193 = tpu.memref_squeeze %dma_wait3A_192 : memref<1x1x2x80xi32, #tpu.memory_space<hbm>> -> memref<2x80xi32, #tpu.memory_space<hbm>>
        %dma_wait3A_194 = arith.constant 0 : i32
        %dma_wait3A_195 = arith.constant 0 : i32
        %dma_wait3A_196 = tpu.memref_slice %arg3[%add3A, %add3A_189, %dma_wait3A_194, %dma_wait3A_195] : memref<32x125x2x80xi32, #tpu.memory_space<hbm>> -> memref<1x1x2x80xi32, #tpu.memory_space<hbm>>
        %dma_wait3A_197 = tpu.memref_squeeze %dma_wait3A_196 : memref<1x1x2x80xi32, #tpu.memory_space<hbm>> -> memref<2x80xi32, #tpu.memory_space<hbm>>
        tpu.wait_dma2 semaphore(%arg15 : memref<!tpu.dma_semaphore, #tpu.memory_space<semaphore_mem>>) src(%dma_wait3A_197 : memref<2x80xi32, #tpu.memory_space<hbm>>) dst(%arg9 : memref<2x80xi32, #tpu.memory_space<vmem>>)
        %dma_start3A_198 = arith.constant 0 : i32
        %dma_start3A_199 = arith.constant 0 : i32
        %dma_start3A_200 = tpu.memref_slice %arg9[%dma_start3A_198, %dma_start3A_199] : memref<2x80xi32, #tpu.memory_space<vmem>> -> memref<1x80xi32, #tpu.memory_space<vmem>>
        %dma_start3A_201 = tpu.memref_squeeze %dma_start3A_200 : memref<1x80xi32, #tpu.memory_space<vmem>> -> memref<80xi32, #tpu.memory_space<vmem>>
        %dma_start3A_202 = arith.constant 0 : i32
        %dma_start3A_203 = arith.constant 0 : i32
        %dma_start3A_204 = tpu.memref_slice %arg2[%dma_start3A_202, %dma_start3A_203] : memref<10240x128xf32, #tpu.memory_space<hbm>> -> memref<10240x128xf32, #tpu.memory_space<hbm>>
        tpu.enqueue_indirect_dma source(%dma_start3A_204 : memref<10240x128xf32, #tpu.memory_space<hbm>>) target(%arg13 : memref<80x128xf32, #tpu.memory_space<vmem>>) offsets(%dma_start3A_201 : memref<80xi32, #tpu.memory_space<vmem>>) semaphore(%arg19 : memref<!tpu.dma_semaphore, #tpu.memory_space<semaphore_mem>>)
      } else {
      }
    }
    %scan3A_72 = arith.constant 31 : i32
    %dma_wait3A_73 = arith.constant 0 : i32
    %dma_wait3A_74 = arith.constant 0 : i32
    %dma_wait3A_75 = tpu.memref_slice %arg8[%dma_wait3A_73, %dma_wait3A_74] : memref<2x80xi32, #tpu.memory_space<vmem>> -> memref<1x80xi32, #tpu.memory_space<vmem>>
    %dma_wait3A_76 = tpu.memref_squeeze %dma_wait3A_75 : memref<1x80xi32, #tpu.memory_space<vmem>> -> memref<80xi32, #tpu.memory_space<vmem>>
    %dma_wait3A_77 = arith.constant 0 : i32
    %dma_wait3A_78 = arith.constant 0 : i32
    %dma_wait3A_79 = tpu.memref_slice %arg2[%dma_wait3A_77, %dma_wait3A_78] : memref<10240x128xf32, #tpu.memory_space<hbm>> -> memref<10240x128xf32, #tpu.memory_space<hbm>>
    tpu.wait_indirect_dma semaphore(%arg18 : memref<!tpu.dma_semaphore, #tpu.memory_space<semaphore_mem>>) src(%dma_wait3A_79 : memref<10240x128xf32, #tpu.memory_space<hbm>>) dst(%arg12 : memref<80x128xf32, #tpu.memory_space<vmem>>)
    %run_scoped3A = arith.constant 1 : i32
    "tpu.region"() ({
      %run_scoped3A_88 = tpu.sem_alloc : memref<!tpu.dma_semaphore, #tpu.memory_space<semaphore_mem>>
      %dma_start3A_89 = arith.constant 0 : i32
      %dma_start3A_90 = tpu.memref_slice %arg8[%run_scoped3A, %dma_start3A_89] : memref<2x80xi32, #tpu.memory_space<vmem>> -> memref<1x80xi32, #tpu.memory_space<vmem>>
      %dma_start3A_91 = tpu.memref_squeeze %dma_start3A_90 : memref<1x80xi32, #tpu.memory_space<vmem>> -> memref<80xi32, #tpu.memory_space<vmem>>
      %dma_start3A_92 = arith.constant 0 : i32
      %dma_start3A_93 = arith.constant 0 : i32
      %dma_start3A_94 = tpu.memref_slice %arg7[%dma_start3A_92, %dma_start3A_93] : memref<10240x128xf32, #tpu.memory_space<vmem_shared>> -> memref<10240x128xf32, #tpu.memory_space<vmem_shared>>
      tpu.enqueue_indirect_dma source(%arg12 : memref<80x128xf32, #tpu.memory_space<vmem>>) target(%dma_start3A_94 : memref<10240x128xf32, #tpu.memory_space<vmem_shared>>) offsets(%dma_start3A_91 : memref<80xi32, #tpu.memory_space<vmem>>) semaphore(%run_scoped3A_88 : memref<!tpu.dma_semaphore, #tpu.memory_space<semaphore_mem>>) {add = true}
      %dma_wait3A_95 = arith.constant 0 : i32
      %dma_wait3A_96 = tpu.memref_slice %arg8[%run_scoped3A, %dma_wait3A_95] : memref<2x80xi32, #tpu.memory_space<vmem>> -> memref<1x80xi32, #tpu.memory_space<vmem>>
      %dma_wait3A_97 = tpu.memref_squeeze %dma_wait3A_96 : memref<1x80xi32, #tpu.memory_space<vmem>> -> memref<80xi32, #tpu.memory_space<vmem>>
      %dma_wait3A_98 = arith.constant 0 : i32
      %dma_wait3A_99 = arith.constant 0 : i32
      %dma_wait3A_100 = tpu.memref_slice %arg7[%dma_wait3A_98, %dma_wait3A_99] : memref<10240x128xf32, #tpu.memory_space<vmem_shared>> -> memref<10240x128xf32, #tpu.memory_space<vmem_shared>>
      tpu.wait_indirect_dma semaphore(%run_scoped3A_88 : memref<!tpu.dma_semaphore, #tpu.memory_space<semaphore_mem>>) src(%arg12 : memref<80x128xf32, #tpu.memory_space<vmem>>) dst(%dma_wait3A_100 : memref<10240x128xf32, #tpu.memory_space<vmem_shared>>)
      tpu.yield
    }) : () -> ()
    %barrier3A_80 = arith.constant 0 : index
    tpu.barrier barrier_id(%barrier3A_80)
    %eq3A = arith.constant 0 : i32
    %eq3A_81 = arith.cmpi eq, %arg0, %eq3A : i32
    %convert_element_type3A = arith.extui %eq3A_81 : i1 to i32
    %cond3A = arith.constant 0 : i32
    %cond3A_82 = arith.cmpi ne, %convert_element_type3A, %cond3A : i32
    scf.if %cond3A_82 {
      %mul3A_88 = arith.constant 640 : i32
      %mul3A_89 = arith.muli %arg1, %mul3A_88 : i32
      %mul3A_90 = arith.constant 640 : i32
      %mul3A_91 = arith.muli %arg1, %mul3A_90 : i32
      "tpu.region"() ({
        %run_scoped3A_92 = tpu.sem_alloc : memref<!tpu.dma_semaphore, #tpu.memory_space<semaphore_mem>>
        %dma_start3A_93 = arith.constant 0 : i32
        %dma_start3A_94 = tpu.memref_slice %arg5[%mul3A_91, %dma_start3A_93] : memref<10240x128xf32, #tpu.memory_space<hbm>> -> memref<640x128xf32, #tpu.memory_space<hbm>>
        %dma_start3A_95 = arith.constant 0 : i32
        %dma_start3A_96 = tpu.memref_slice %arg7[%mul3A_89, %dma_start3A_95] : memref<10240x128xf32, #tpu.memory_space<vmem_shared>> -> memref<640x128xf32, #tpu.memory_space<vmem_shared>>
        tpu.enqueue_dma source(%dma_start3A_96 : memref<640x128xf32, #tpu.memory_space<vmem_shared>>) target(%dma_start3A_94 : memref<640x128xf32, #tpu.memory_space<hbm>>) target_semaphore(%run_scoped3A_92 : memref<!tpu.dma_semaphore, #tpu.memory_space<semaphore_mem>>)
        %dma_wait3A_97 = arith.constant 0 : i32
        %dma_wait3A_98 = tpu.memref_slice %arg5[%mul3A_91, %dma_wait3A_97] : memref<10240x128xf32, #tpu.memory_space<hbm>> -> memref<640x128xf32, #tpu.memory_space<hbm>>
        %dma_wait3A_99 = arith.constant 0 : i32
        %dma_wait3A_100 = tpu.memref_slice %arg7[%mul3A_89, %dma_wait3A_99] : memref<10240x128xf32, #tpu.memory_space<vmem_shared>> -> memref<640x128xf32, #tpu.memory_space<vmem_shared>>
        tpu.wait_dma2 semaphore(%run_scoped3A_92 : memref<!tpu.dma_semaphore, #tpu.memory_space<semaphore_mem>>) src(%dma_wait3A_100 : memref<640x128xf32, #tpu.memory_space<vmem_shared>>) dst(%dma_wait3A_98 : memref<640x128xf32, #tpu.memory_space<hbm>>)
        tpu.yield
      }) : () -> ()
    } else {
    }
    %eq3A_83 = arith.constant 1 : i32
    %eq3A_84 = arith.cmpi eq, %arg0, %eq3A_83 : i32
    %convert_element_type3A_85 = arith.extui %eq3A_84 : i1 to i32
    %cond3A_86 = arith.constant 0 : i32
    %cond3A_87 = arith.cmpi ne, %convert_element_type3A_85, %cond3A_86 : i32
    scf.if %cond3A_87 {
      %mul3A_88 = arith.constant 640 : i32
      %mul3A_89 = arith.muli %arg1, %mul3A_88 : i32
      %mul3A_90 = arith.constant 640 : i32
      %mul3A_91 = arith.muli %arg1, %mul3A_90 : i32
      "tpu.region"() ({
        %run_scoped3A_92 = tpu.sem_alloc : memref<!tpu.dma_semaphore, #tpu.memory_space<semaphore_mem>>
        %dma_start3A_93 = arith.constant 0 : i32
        %dma_start3A_94 = tpu.memref_slice %arg6[%mul3A_91, %dma_start3A_93] : memref<10240x128xf32, #tpu.memory_space<hbm>> -> memref<640x128xf32, #tpu.memory_space<hbm>>
        %dma_start3A_95 = arith.constant 0 : i32
        %dma_start3A_96 = tpu.memref_slice %arg7[%mul3A_89, %dma_start3A_95] : memref<10240x128xf32, #tpu.memory_space<vmem_shared>> -> memref<640x128xf32, #tpu.memory_space<vmem_shared>>
        tpu.enqueue_dma source(%dma_start3A_96 : memref<640x128xf32, #tpu.memory_space<vmem_shared>>) target(%dma_start3A_94 : memref<640x128xf32, #tpu.memory_space<hbm>>) target_semaphore(%run_scoped3A_92 : memref<!tpu.dma_semaphore, #tpu.memory_space<semaphore_mem>>)
        %dma_wait3A_97 = arith.constant 0 : i32
        %dma_wait3A_98 = tpu.memref_slice %arg6[%mul3A_91, %dma_wait3A_97] : memref<10240x128xf32, #tpu.memory_space<hbm>> -> memref<640x128xf32, #tpu.memory_space<hbm>>
        %dma_wait3A_99 = arith.constant 0 : i32
        %dma_wait3A_100 = tpu.memref_slice %arg7[%mul3A_89, %dma_wait3A_99] : memref<10240x128xf32, #tpu.memory_space<vmem_shared>> -> memref<640x128xf32, #tpu.memory_space<vmem_shared>>
        tpu.wait_dma2 semaphore(%run_scoped3A_92 : memref<!tpu.dma_semaphore, #tpu.memory_space<semaphore_mem>>) src(%dma_wait3A_100 : memref<640x128xf32, #tpu.memory_space<vmem_shared>>) dst(%dma_wait3A_98 : memref<640x128xf32, #tpu.memory_space<hbm>>)
        tpu.yield
      }) : () -> ()
    } else {
    }
    return
  }
}

module attributes {stable_mosaic.version = 14 : i64} {
  func.func @_prep_body(%arg0: i32, %arg1: memref<640x1xf32, #tpu.memory_space<vmem>>, %arg2: memref<640x1xf32, #tpu.memory_space<vmem>>, %arg3: memref<640x128xf32, #tpu.memory_space<vmem>>, %arg4: memref<640x1xf32, #tpu.memory_space<vmem>>, %arg5: memref<640x128xf32, #tpu.memory_space<vmem>>) attributes {dimension_semantics = [#tpu.dimension_semantics<arbitrary>], iteration_bounds = array<i64: 16>, scalar_prefetch = 0 : i64, scratch_operands = 0 : i64, tpu.core_type = #tpu.core_type<tc>, window_params = [{transform_indices = @transform_0, window_bounds = array<i64: 640, 1>}, {transform_indices = @transform_1, window_bounds = array<i64: 640, 1>}, {transform_indices = @transform_2, window_bounds = array<i64: 640, 128>}, {transform_indices = @transform_3, window_bounds = array<i64: 640, 1>}, {transform_indices = @transform_4, window_bounds = array<i64: 640, 128>}]} {
    %get3A = arith.constant 0 : index
    %get3A_0 = arith.constant 0 : index
    %get3A_1 = vector.load %arg1[%get3A, %get3A_0] : memref<640x1xf32, #tpu.memory_space<vmem>>, vector<640x1xf32>
    %get3A_2 = arith.constant 0 : index
    %get3A_3 = arith.constant 0 : index
    %get3A_4 = vector.load %arg2[%get3A_2, %get3A_3] : memref<640x1xf32, #tpu.memory_space<vmem>>, vector<640x1xf32>
    %add3A = arith.addf %get3A_1, %get3A_4 : vector<640x1xf32>
    %add3A_5 = arith.constant 1.000000e+00 : f32
    %add3A_6 = vector.broadcast %add3A_5 : f32 to vector<640x1xf32>
    %add3A_7 = arith.addf %add3A, %add3A_6 : vector<640x1xf32>
    %rsqrt3A = math.rsqrt %add3A_7 : vector<640x1xf32>
    %swap3A = arith.constant 0 : index
    %swap3A_8 = arith.constant 0 : index
    %swap3A_9 = vector.load %arg4[%swap3A, %swap3A_8] : memref<640x1xf32, #tpu.memory_space<vmem>>, vector<640x1xf32>
    tpu.vector_store %arg4[%swap3A, %swap3A_8], %rsqrt3A {strides = array<i32>} : memref<640x1xf32, #tpu.memory_space<vmem>>, vector<640x1xf32>,
    %get3A_10 = arith.constant 0 : index
    %get3A_11 = arith.constant 0 : index
    %get3A_12 = vector.load %arg3[%get3A_10, %get3A_11] : memref<640x128xf32, #tpu.memory_space<vmem>>, vector<640x128xf32>
    %mul3A = vector.broadcast %rsqrt3A : vector<640x1xf32> to vector<640x128xf32>
    %mul3A_13 = arith.mulf %mul3A, %get3A_12 : vector<640x128xf32>
    %swap3A_14 = arith.constant 0 : index
    %swap3A_15 = arith.constant 0 : index
    %swap3A_16 = vector.load %arg5[%swap3A_14, %swap3A_15] : memref<640x128xf32, #tpu.memory_space<vmem>>, vector<640x128xf32>
    tpu.vector_store %arg5[%swap3A_14, %swap3A_15], %mul3A_13 {strides = array<i32>} : memref<640x128xf32, #tpu.memory_space<vmem>>, vector<640x128xf32>,
    return
  }
  func.func @transform_0(%arg0: i32) -> (i32, i32) {
    %c0_i32 = arith.constant 0 : i32
    %c0_i32_0 = arith.constant 0 : i32
    return %arg0, %c0_i32 : i32, i32
  }
  func.func @transform_1(%arg0: i32) -> (i32, i32) {
    %c0_i32 = arith.constant 0 : i32
    %c0_i32_0 = arith.constant 0 : i32
    return %arg0, %c0_i32 : i32, i32
  }
  func.func @transform_2(%arg0: i32) -> (i32, i32) {
    %c0_i32 = arith.constant 0 : i32
    %c0_i32_0 = arith.constant 0 : i32
    return %arg0, %c0_i32 : i32, i32
  }
  func.func @transform_3(%arg0: i32) -> (i32, i32) {
    %c0_i32 = arith.constant 0 : i32
    %c0_i32_0 = arith.constant 0 : i32
    return %arg0, %c0_i32 : i32, i32
  }
  func.func @transform_4(%arg0: i32) -> (i32, i32) {
    %c0_i32 = arith.constant 0 : i32
    %c0_i32_0 = arith.constant 0 : i32
    return %arg0, %c0_i32 : i32, i32
  }
}

module attributes {stable_mosaic.version = 14 : i64} {
  func.func @_mid_body(%arg0: i32, %arg1: memref<640x1xf32, #tpu.memory_space<vmem>>, %arg2: memref<640x128xf32, #tpu.memory_space<vmem>>, %arg3: memref<640x128xf32, #tpu.memory_space<vmem>>, %arg4: memref<640x128xf32, #tpu.memory_space<vmem>>, %arg5: memref<640x128xf32, #tpu.memory_space<vmem>>, %arg6: memref<640x128xf32, #tpu.memory_space<vmem>>) attributes {dimension_semantics = [#tpu.dimension_semantics<arbitrary>], iteration_bounds = array<i64: 16>, scalar_prefetch = 0 : i64, scratch_operands = 0 : i64, tpu.core_type = #tpu.core_type<tc>, window_params = [{transform_indices = @transform_0, window_bounds = array<i64: 640, 1>}, {transform_indices = @transform_1, window_bounds = array<i64: 640, 128>}, {transform_indices = @transform_2, window_bounds = array<i64: 640, 128>}, {transform_indices = @transform_3, window_bounds = array<i64: 640, 128>}, {transform_indices = @transform_4, window_bounds = array<i64: 640, 128>}, {transform_indices = @transform_5, window_bounds = array<i64: 640, 128>}]} {
    %get3A = arith.constant 0 : index
    %get3A_0 = arith.constant 0 : index
    %get3A_1 = vector.load %arg2[%get3A, %get3A_0] : memref<640x128xf32, #tpu.memory_space<vmem>>, vector<640x128xf32>
    %get3A_2 = arith.constant 0 : index
    %get3A_3 = arith.constant 0 : index
    %get3A_4 = vector.load %arg3[%get3A_2, %get3A_3] : memref<640x128xf32, #tpu.memory_space<vmem>>, vector<640x128xf32>
    %add3A = arith.addf %get3A_1, %get3A_4 : vector<640x128xf32>
    %get3A_5 = arith.constant 0 : index
    %get3A_6 = arith.constant 0 : index
    %get3A_7 = vector.load %arg4[%get3A_5, %get3A_6] : memref<640x128xf32, #tpu.memory_space<vmem>>, vector<640x128xf32>
    %add3A_8 = arith.addf %add3A, %get3A_7 : vector<640x128xf32>
    %get3A_9 = arith.constant 0 : index
    %get3A_10 = arith.constant 0 : index
    %get3A_11 = vector.load %arg1[%get3A_9, %get3A_10] : memref<640x1xf32, #tpu.memory_space<vmem>>, vector<640x1xf32>
    %mul3A = vector.broadcast %get3A_11 : vector<640x1xf32> to vector<640x128xf32>
    %mul3A_12 = arith.mulf %mul3A, %add3A_8 : vector<640x128xf32>
    %swap3A = arith.constant 0 : index
    %swap3A_13 = arith.constant 0 : index
    %swap3A_14 = vector.load %arg5[%swap3A, %swap3A_13] : memref<640x128xf32, #tpu.memory_space<vmem>>, vector<640x128xf32>
    tpu.vector_store %arg5[%swap3A, %swap3A_13], %mul3A_12 {strides = array<i32>} : memref<640x128xf32, #tpu.memory_space<vmem>>, vector<640x128xf32>,
    %mul3A_15 = vector.broadcast %get3A_11 : vector<640x1xf32> to vector<640x128xf32>
    %mul3A_16 = arith.mulf %mul3A_15, %mul3A_12 : vector<640x128xf32>
    %swap3A_17 = arith.constant 0 : index
    %swap3A_18 = arith.constant 0 : index
    %swap3A_19 = vector.load %arg6[%swap3A_17, %swap3A_18] : memref<640x128xf32, #tpu.memory_space<vmem>>, vector<640x128xf32>
    tpu.vector_store %arg6[%swap3A_17, %swap3A_18], %mul3A_16 {strides = array<i32>} : memref<640x128xf32, #tpu.memory_space<vmem>>, vector<640x128xf32>,
    return
  }
  func.func @transform_0(%arg0: i32) -> (i32, i32) {
    %c0_i32 = arith.constant 0 : i32
    %c0_i32_0 = arith.constant 0 : i32
    return %arg0, %c0_i32 : i32, i32
  }
  func.func @transform_1(%arg0: i32) -> (i32, i32) {
    %c0_i32 = arith.constant 0 : i32
    %c0_i32_0 = arith.constant 0 : i32
    return %arg0, %c0_i32 : i32, i32
  }
  func.func @transform_2(%arg0: i32) -> (i32, i32) {
    %c0_i32 = arith.constant 0 : i32
    %c0_i32_0 = arith.constant 0 : i32
    return %arg0, %c0_i32 : i32, i32
  }
  func.func @transform_3(%arg0: i32) -> (i32, i32) {
    %c0_i32 = arith.constant 0 : i32
    %c0_i32_0 = arith.constant 0 : i32
    return %arg0, %c0_i32 : i32, i32
  }
  func.func @transform_4(%arg0: i32) -> (i32, i32) {
    %c0_i32 = arith.constant 0 : i32
    %c0_i32_0 = arith.constant 0 : i32
    return %arg0, %c0_i32 : i32, i32
  }
  func.func @transform_5(%arg0: i32) -> (i32, i32) {
    %c0_i32 = arith.constant 0 : i32
    %c0_i32_0 = arith.constant 0 : i32
    return %arg0, %c0_i32 : i32, i32
  }
}

module attributes {stable_mosaic.version = 14 : i64} {
  func.func @_out_body(%arg0: i32, %arg1: memref<640x128xf32, #tpu.memory_space<vmem>>, %arg2: memref<640x128xf32, #tpu.memory_space<vmem>>, %arg3: memref<640x128xf32, #tpu.memory_space<vmem>>, %arg4: memref<640x128xf32, #tpu.memory_space<vmem>>, %arg5: memref<640x128xf32, #tpu.memory_space<vmem>>, %arg6: memref<640x1xf32, #tpu.memory_space<vmem>>, %arg7: memref<128x128xf32, #tpu.memory_space<vmem>>, %arg8: memref<128x128xf32, #tpu.memory_space<vmem>>, %arg9: memref<128x128xf32, #tpu.memory_space<vmem>>, %arg10: memref<1x128xf32, #tpu.memory_space<vmem>>, %arg11: memref<640x128xf32, #tpu.memory_space<vmem>>) attributes {dimension_semantics = [#tpu.dimension_semantics<arbitrary>], iteration_bounds = array<i64: 16>, scalar_prefetch = 0 : i64, scratch_operands = 0 : i64, tpu.core_type = #tpu.core_type<tc>, window_params = [{transform_indices = @transform_0, window_bounds = array<i64: 640, 128>}, {transform_indices = @transform_1, window_bounds = array<i64: 640, 128>}, {transform_indices = @transform_2, window_bounds = array<i64: 640, 128>}, {transform_indices = @transform_3, window_bounds = array<i64: 640, 128>}, {transform_indices = @transform_4, window_bounds = array<i64: 640, 128>}, {transform_indices = @transform_5, window_bounds = array<i64: 640, 1>}, {pipeline_mode = #tpu.pipeline_mode<synchronous>, transform_indices = @transform_6, window_bounds = array<i64: 128, 128>}, {pipeline_mode = #tpu.pipeline_mode<synchronous>, transform_indices = @transform_7, window_bounds = array<i64: 128, 128>}, {pipeline_mode = #tpu.pipeline_mode<synchronous>, transform_indices = @transform_8, window_bounds = array<i64: 128, 128>}, {pipeline_mode = #tpu.pipeline_mode<synchronous>, transform_indices = @transform_9, window_bounds = array<i64: 1, 128>}, {transform_indices = @transform_10, window_bounds = array<i64: 640, 128>}]} {
    %get3A = arith.constant 0 : index
    %get3A_0 = arith.constant 0 : index
    %get3A_1 = vector.load %arg6[%get3A, %get3A_0] : memref<640x1xf32, #tpu.memory_space<vmem>>, vector<640x1xf32>
    %get3A_2 = arith.constant 0 : index
    %get3A_3 = arith.constant 0 : index
    %get3A_4 = vector.load %arg3[%get3A_2, %get3A_3] : memref<640x128xf32, #tpu.memory_space<vmem>>, vector<640x128xf32>
    %get3A_5 = arith.constant 0 : index
    %get3A_6 = arith.constant 0 : index
    %get3A_7 = vector.load %arg4[%get3A_5, %get3A_6] : memref<640x128xf32, #tpu.memory_space<vmem>>, vector<640x128xf32>
    %add3A = arith.addf %get3A_4, %get3A_7 : vector<640x128xf32>
    %get3A_8 = arith.constant 0 : index
    %get3A_9 = arith.constant 0 : index
    %get3A_10 = vector.load %arg5[%get3A_8, %get3A_9] : memref<640x128xf32, #tpu.memory_space<vmem>>, vector<640x128xf32>
    %add3A_11 = arith.addf %add3A, %get3A_10 : vector<640x128xf32>
    %mul3A = vector.broadcast %get3A_1 : vector<640x1xf32> to vector<640x128xf32>
    %mul3A_12 = arith.mulf %mul3A, %add3A_11 : vector<640x128xf32>
    %get3A_13 = arith.constant 0 : index
    %get3A_14 = arith.constant 0 : index
    %get3A_15 = vector.load %arg1[%get3A_13, %get3A_14] : memref<640x128xf32, #tpu.memory_space<vmem>>, vector<640x128xf32>
    %get3A_16 = arith.constant 0 : index
    %get3A_17 = arith.constant 0 : index
    %get3A_18 = vector.load %arg7[%get3A_16, %get3A_17] : memref<128x128xf32, #tpu.memory_space<vmem>>, vector<128x128xf32>
    %dot_general3A = arith.constant dense<0.000000e+00> : vector<640x128xf32>
    %dot_general3A_19 = tpu.matmul %get3A_15, %get3A_18, %dot_general3A {dimension_numbers = #tpu.dot_dimension_numbers<[1], [0], [0], [1], [0, 0, 1, 1], [], []>, transpose_lhs_hint = false} : vector<640x128xf32>, vector<128x128xf32>, vector<640x128xf32> -> vector<640x128xf32>
    %get3A_20 = arith.constant 0 : index
    %get3A_21 = arith.constant 0 : index
    %get3A_22 = vector.load %arg2[%get3A_20, %get3A_21] : memref<640x128xf32, #tpu.memory_space<vmem>>, vector<640x128xf32>
    %get3A_23 = arith.constant 0 : index
    %get3A_24 = arith.constant 0 : index
    %get3A_25 = vector.load %arg8[%get3A_23, %get3A_24] : memref<128x128xf32, #tpu.memory_space<vmem>>, vector<128x128xf32>
    %dot_general3A_26 = arith.constant dense<0.000000e+00> : vector<640x128xf32>
    %dot_general3A_27 = tpu.matmul %get3A_22, %get3A_25, %dot_general3A_26 {dimension_numbers = #tpu.dot_dimension_numbers<[1], [0], [0], [1], [0, 0, 1, 1], [], []>, transpose_lhs_hint = false} : vector<640x128xf32>, vector<128x128xf32>, vector<640x128xf32> -> vector<640x128xf32>
    %add3A_28 = arith.addf %dot_general3A_19, %dot_general3A_27 : vector<640x128xf32>
    %get3A_29 = arith.constant 0 : index
    %get3A_30 = arith.constant 0 : index
    %get3A_31 = vector.load %arg9[%get3A_29, %get3A_30] : memref<128x128xf32, #tpu.memory_space<vmem>>, vector<128x128xf32>
    %dot_general3A_32 = arith.constant dense<0.000000e+00> : vector<640x128xf32>
    %dot_general3A_33 = tpu.matmul %mul3A_12, %get3A_31, %dot_general3A_32 {dimension_numbers = #tpu.dot_dimension_numbers<[1], [0], [0], [1], [0, 0, 1, 1], [], []>, transpose_lhs_hint = false} : vector<640x128xf32>, vector<128x128xf32>, vector<640x128xf32> -> vector<640x128xf32>
    %add3A_34 = arith.addf %add3A_28, %dot_general3A_33 : vector<640x128xf32>
    %get3A_35 = arith.constant 0 : index
    %get3A_36 = arith.constant 0 : index
    %get3A_37 = vector.load %arg10[%get3A_35, %get3A_36] : memref<1x128xf32, #tpu.memory_space<vmem>>, vector<1x128xf32>
    %add3A_38 = vector.broadcast %get3A_37 : vector<1x128xf32> to vector<640x128xf32>
    %add3A_39 = arith.addf %add3A_34, %add3A_38 : vector<640x128xf32>
    %swap3A = arith.constant 0 : index
    %swap3A_40 = arith.constant 0 : index
    %swap3A_41 = vector.load %arg11[%swap3A, %swap3A_40] : memref<640x128xf32, #tpu.memory_space<vmem>>, vector<640x128xf32>
    tpu.vector_store %arg11[%swap3A, %swap3A_40], %add3A_39 {strides = array<i32>} : memref<640x128xf32, #tpu.memory_space<vmem>>, vector<640x128xf32>,
    return
  }
  func.func @transform_0(%arg0: i32) -> (i32, i32) {
    %c0_i32 = arith.constant 0 : i32
    %c0_i32_0 = arith.constant 0 : i32
    return %arg0, %c0_i32 : i32, i32
  }
  func.func @transform_1(%arg0: i32) -> (i32, i32) {
    %c0_i32 = arith.constant 0 : i32
    %c0_i32_0 = arith.constant 0 : i32
    return %arg0, %c0_i32 : i32, i32
  }
  func.func @transform_2(%arg0: i32) -> (i32, i32) {
    %c0_i32 = arith.constant 0 : i32
    %c0_i32_0 = arith.constant 0 : i32
    return %arg0, %c0_i32 : i32, i32
  }
  func.func @transform_3(%arg0: i32) -> (i32, i32) {
    %c0_i32 = arith.constant 0 : i32
    %c0_i32_0 = arith.constant 0 : i32
    return %arg0, %c0_i32 : i32, i32
  }
  func.func @transform_4(%arg0: i32) -> (i32, i32) {
    %c0_i32 = arith.constant 0 : i32
    %c0_i32_0 = arith.constant 0 : i32
    return %arg0, %c0_i32 : i32, i32
  }
  func.func @transform_5(%arg0: i32) -> (i32, i32) {
    %c0_i32 = arith.constant 0 : i32
    %c0_i32_0 = arith.constant 0 : i32
    return %arg0, %c0_i32 : i32, i32
  }
  func.func @transform_6(%arg0: i32) -> (i32, i32) {
    %c0_i32 = arith.constant 0 : i32
    %c0_i32_0 = arith.constant 0 : i32
    %c0_i32_1 = arith.constant 0 : i32
    return %c0_i32, %c0_i32_0 : i32, i32
  }
  func.func @transform_7(%arg0: i32) -> (i32, i32) {
    %c0_i32 = arith.constant 0 : i32
    %c0_i32_0 = arith.constant 0 : i32
    %c0_i32_1 = arith.constant 0 : i32
    return %c0_i32, %c0_i32_0 : i32, i32
  }
  func.func @transform_8(%arg0: i32) -> (i32, i32) {
    %c0_i32 = arith.constant 0 : i32
    %c0_i32_0 = arith.constant 0 : i32
    %c0_i32_1 = arith.constant 0 : i32
    return %c0_i32, %c0_i32_0 : i32, i32
  }
  func.func @transform_9(%arg0: i32) -> (i32, i32) {
    %c0_i32 = arith.constant 0 : i32
    %c0_i32_0 = arith.constant 0 : i32
    %c0_i32_1 = arith.constant 0 : i32
    return %c0_i32, %c0_i32_0 : i32, i32
  }
  func.func @transform_10(%arg0: i32) -> (i32, i32) {
    %c0_i32 = arith.constant 0 : i32
    %c0_i32_0 = arith.constant 0 : i32
    return %arg0, %c0_i32 : i32, i32
  }
}

</mosaic_0001>

<sc_bundles>
// kernel: kernel.11.cloned.1.call-start
scs
__scs_entry_jumppad:
0x0: {  	(pc) =	sbr.rel $0x88, $3  }
0x1: {  	(tag) =	ssettag $0x0;
	lr =	simm.s32 $0x1  }
0x2: {  	[smem:$0x3F9D] =	sst lr;
	_ =	strace $0xD0000000  }
0x3: {  	_ = 	snop  }
0x4: {  	_ = 	snop  }
0x5: {  	_ = 	snop  }
0x6: {  	_ = 	snop  }
0x7: {  	_ = 	snop  }
__scs_overlays_trampoline_lowered:
0x8: {  	[smem:$0x3FAC] =	sst s0  }
0x9: {  	[smem:$0x3FAD] =	sst s1  }
0xa: {  	[smem:$0x3FAE] =	sst s2  }
0xb: {  	[smem:$0x3FAF] =	sst s3  }
0xc: {  	[smem:$0x3FB0] =	sst s4  }
0xd: {  	[smem:$0x3FB1] =	sst s5  }
0xe: {  	[smem:$0x3FB2] =	sst s6  }
0xf: {  	[smem:$0x3FB3] =	sst s7  }
0x10: {  	[smem:$0x3FB4] =	sst s8  }
0x11: {  	[smem:$0x3FB5] =	sst s9;
	s0 =	simm.s32 @!p0 $0x0  }
0x12: {  	s1 =	sld [smem:$0x3F9B];
	s0 =	simm.s32 @p0 $0x1  }
0x13: {  	[smem:$0x3FB6] =	sst s0;
	s0 =	simm.s32 @!p1 $0x0  }
0x14: {  	s2 =	sld [smem:$0x3F9A];
	s0 =	simm.s32 @p1 $0x1  }
0x15: {  	[smem:$0x3FB7] =	sst s0;
	s0 =	simm.s32 @!p2 $0x0  }
0x16: {  	s3 =	sld [smem:$0x3FDB];
	s0 =	simm.s32 @p2 $0x1  }
0x17: {  	s4 =	simm.s32 $0x1BF5;
	[smem:$0x3FB9] =	sst s0  }
0x18: {  	s0 =	sld [smem:$0x3F9C];
	_ =	swait.ge [sflag:s4], $0x0  }
0x19: {  	s7 =	sld [smem:$0x3F9D]  }
0x1a: {  	s8 =	sadd.s32 $0xFFFFE003, lr  }
0x1b: {  	s9 =	sadd.s32 $0xFFFFFEF7, lr;
	s5 =	simm.s32 $0xFFFFFFFF;
	p2 =	slt.u32 s8, $0xFFFFF086  }
0x1c: {  	p1 =	slt.u32 s9, $0xF7A;
	s5 =	simm.s32 @!p2 $0x0  }
0x1d: {  	s5 =	simm.s32 @p1 $0x1;
	p0 =	seq.s32 s7, s2  }
0x1e: {  	s7 =	smul.u32 @!p0 $0xF7A, s2;
	p2 =	seq.s32 @!p0 s5, $0x0  }
0x1f: {  	s9 =	smul.u32 $0xF7A, s1;
	s8 =	simm.s32 @!p0 $0x1BF5;
	p2 =	por !p2, p0  }
0x20: {  	[sflag:s8] =	ssyncset.s32 @!p0 $0xFFFFF086;
	s6 =	sadd.s32 @!p0 s3, s7;
	s7 =	simm.s32 @!p0 $0x108  }
0x21: {  	s3 =	sadd.s32 s3, s9;
	s6 =	sadd.s32 @!p0 $0x88, s6;
	s7 =	simm.s32 @p2 $0x1082  }
0x22: {  	[simem:s7], [sflag:s8] =	dma.local @!p0 [hbm:s6], $0xF7A  }
0x23: {  	s9 =	sor.u32 $0xD0000000, s2;
	s6 =	simm.s32 $0x108;
	_ =	swait.ge @!p0 [sflag:s8], $0x0  }
0x24: {  	s3 =	sadd.s32 $0x88, s3;
	s6 =	simm.s32 @!p1 $0x1082;
	[sflag:s4] =	ssyncset.s32 $0xFFFFF086  }
0x25: {  	[simem:s6], [sflag:s4] =	dma.local [hbm:s3], $0xF7A  }
0x26: {  	[smem:$0x3F9D] =	sst s1;
	(tag) =	ssettag s2;
	_ =	strace s9  }
0x27: {  	s1 =	sld [smem:$0x3FAD]  }
0x28: {  	s2 =	sld [smem:$0x3FAE]  }
0x29: {  	s4 =	sld [smem:$0x3FB0]  }
0x2a: {  	p0 =	seq.s32 s5, $0x0;
	s5 =	sld [smem:$0x3FB1]  }
0x2b: {  	s6 =	sld [smem:$0x3FB2]  }
0x2c: {  	s7 =	sld [smem:$0x3FB3]  }
0x2d: {  	s3 =	simm.s32 $0x108;
	s8 =	sld [smem:$0x3FB4]  }
0x2e: {  	s3 =	simm.s32 @!p0 $0x1082;
	s9 =	sld [smem:$0x3FB5]  }
0x2f: {  	lr =	sadd.s32 s0, s3;
	s0 =	sld [smem:$0x3FAC]  }
0x30: {  	s3 =	sld [smem:$0x3FAF]  }
0x31: {  	[smem:$0x3FB8] =	sst s10  }
0x32: {  	s10 =	sld [smem:$0x3FB6];
	_ =	sdelay $0x3  }
0x33: {  	p0 =	seq.s32 s10, $0x1;
	s10 =	sld [smem:$0x3FB8];
	_ =	sdelay $0x3  }
0x34: {  	[smem:$0x3FB8] =	sst s10  }
0x35: {  	s10 =	sld [smem:$0x3FB7];
	_ =	sdelay $0x3  }
0x36: {  	p1 =	seq.s32 s10, $0x1;
	s10 =	sld [smem:$0x3FB8];
	_ =	sdelay $0x3  }
0x37: {  	[smem:$0x3FB8] =	sst s10  }
0x38: {  	s10 =	sld [smem:$0x3FB9]  }
0x39: {  	_ = 	snop;
	(pc) =	sbr.ind lr, $3  }
0x3a: {  	_ = 	snop  }
0x3b: {  	_ = 	snop  }
0x3c: {  	p2 =	seq.s32 s10, $0x1;
	s10 =	sld [smem:$0x3FB8]  }
0x3d: {  	_ =	shalt  }
0x3e: {  	_ =	shalt  }
0x3f: {  	_ =	shalt  }
0x40: {  	_ =	shalt  }
0x41: {  	_ =	shalt  }
0x42: {  	_ =	shalt  }
0x43: {  	_ =	shalt  }
0x44: {  	_ =	shalt  }
0x45: {  	_ =	shalt  }
0x46: {  	_ =	shalt  }
0x47: {  	_ =	shalt  }
0x48: {  	_ =	shalt  }
0x49: {  	_ =	shalt  }
0x4a: {  	_ =	shalt  }
0x4b: {  	_ =	shalt  }
0x4c: {  	_ =	shalt  }
0x4d: {  	_ =	shalt  }
0x4e: {  	_ =	shalt  }
0x4f: {  	_ =	shalt  }
0x50: {  	_ =	shalt  }
0x51: {  	_ =	shalt  }
0x52: {  	_ =	shalt  }
0x53: {  	_ =	shalt  }
0x54: {  	_ =	shalt  }
0x55: {  	_ =	shalt  }
0x56: {  	_ =	shalt  }
0x57: {  	_ =	shalt  }
0x58: {  	_ =	shalt  }
0x59: {  	_ =	shalt  }
0x5a: {  	_ =	shalt  }
0x5b: {  	_ =	shalt  }
0x5c: {  	_ =	shalt  }
0x5d: {  	_ =	shalt  }
0x5e: {  	_ =	shalt  }
0x5f: {  	_ =	shalt  }
0x60: {  	_ =	shalt  }
0x61: {  	_ =	shalt  }
0x62: {  	_ =	shalt  }
0x63: {  	_ =	shalt  }
0x64: {  	_ =	shalt  }
0x65: {  	_ =	shalt  }
0x66: {  	_ =	shalt  }
0x67: {  	_ =	shalt  }
0x68: {  	_ =	shalt  }
0x69: {  	_ =	shalt  }
0x6a: {  	_ =	shalt  }
0x6b: {  	_ =	shalt  }
0x6c: {  	_ =	shalt  }
0x6d: {  	_ =	shalt  }
0x6e: {  	_ =	shalt  }
0x6f: {  	_ =	shalt  }
0x70: {  	_ =	shalt  }
0x71: {  	_ =	shalt  }
0x72: {  	_ =	shalt  }
0x73: {  	_ =	shalt  }
0x74: {  	_ =	shalt  }
0x75: {  	_ =	shalt  }
0x76: {  	_ =	shalt  }
0x77: {  	_ =	shalt  }
0x78: {  	_ =	shalt  }
0x79: {  	_ =	shalt  }
0x7a: {  	_ =	shalt  }
0x7b: {  	_ =	shalt  }
0x7c: {  	_ =	shalt  }
0x7d: {  	_ =	shalt  }
0x7e: {  	_ =	shalt  }
0x7f: {  	_ =	shalt  }
0x80: {  	_ =	shalt  }
0x81: {  	_ =	shalt  }
0x82: {  	_ =	shalt  }
0x83: {  	_ =	shalt  }
0x84: {  	_ =	shalt  }
0x85: {  	_ =	shalt  }
0x86: {  	_ =	shalt  }
0x87: {  	_ =	shalt  }
.Lfunc_end0:
.L_simem_size_0:
called_computation.1_lowered:
.L_overlay_start_0:
0x88: {  	s2 =	sld [smem:$0x3FD9]  }
0x89: {  	s3 =	sld [smem:$0x3FFE];
	_ =	sdelay $0x1  }
0x8a: {  	s1 =	srdreg.scid  }
0x8b: {  	s0 =	sand.u32 $0x1, s1  }
0x8c: {  	s17 =	sshll.u32 s0, $0xA;
	s2 =	sadd.s32 s3, s2  }
0x8d: {  	s2 =	sadd.s32 s2, s17  }
0x8e: {  	[smem:$0x3FC4] =	sst s2  }
0x8f: {  	_ = 	snop  }
0x90: {  	s2 =	sld [smem:$0x3FD0];
	(tm) =	ssettm $0x1  }
0x91: {  	s18 =	sld [smem:$0x3FFB];
	_ =	sdelay $0x3  }
0x92: {  	_ =	strace s18  }
0x93: {  	s3 =	sld [smem:$0x3FFC];
	_ =	sdelay $0x3  }
0x94: {  	_ =	strace s3  }
0x95: {  	s3 =	sld [smem:$0x3FFD];
	_ =	sdelay $0x3  }
0x96: {  	_ =	strace s3  }
0x97: {  	_ =	strace $0x8FFFFFFF  }
0x98: {  	s19 =	sld [smem:$0x3FDB];
	_ =	sdelay $0x1  }
0x99: {  	s4 =	simm.s32 $_scs_section_size  }
0x9a: {  	s5 =	simm.s32 $_size__tile_overlayer_lowered;
	s6 =	simm.s32 $_tile_overlayer_lowered  }
0x9b: {  	s22 =	simm.s32 $0x1BFF;
	s21 =	sshll.u32 s6, $0x1;
	s3 =	sadd.s32 s4, s19  }
0x9c: {  	s7 =	simm.s32 $0x0;
	s20 =	sshll.u32 s5, $0x1;
	s5 =	sadd.s32 s21, s3  }
0x9d: {  	[timem:s7], [sflag:s22] =	dma.local [hbm:s5], s20  }
0x9e: {  	_ =	swait.ge [sflag:s22], s20  }
0x9f: {  	s4 =	ssub.s32 $0x0, s20;
	[sflag:s22] =	ssyncset.done $0x0  }
0xa0: {  	[sflag:s22] =	ssyncadd.s32 s4;
	_ =	sdelay $0x1  }
0xa1: {  	s23 =	simm.s32 $0x1B8B  }
0xa2: {  	_ =	swait.ge [sflag:s23], $0x1  }
0xa3: {  	[sflag:s23] =	ssyncset.done $0x0  }
0xa4: {  	s25 =	simm.s32 $0x1B8E;
	s24 =	sld [smem:$0x3FFE];
	[sflag:s23] =	ssyncadd.s32 $0xFFFFFFFF  }
0xa5: {  	s26 =	simm.s32 $execute0_lowered;
	[smem:$0x3FD2] =	sst s25  }
0xa6: {  	s5 =	sshll.u32 s26, $0x1;
	_ =	strace $0x80000049;
	[dreg:$0x1] =	wrdreg $0xFFFFFFFF  }
0xa7: {  	s28 =	simm.s32 $_size_execute0_lowered;
	s3 =	sadd.s32 s3, s5;
	[dreg:$0x0] =	wrdreg $0x0  }
0xa8: {  	s5 =	sshll.u32 s28, $0x1;
	[dreg:$0x2] =	wrdreg s3  }
0xa9: {  	[dreg:$0x3] =	wrdreg s5  }
0xaa: {  	[dreg:$0x4] =	wrdreg $0xC0  }
0xab: {  	_ =	task [dreg:s7], $0x5FFFF  }
0xac: {  	[dreg:$0x1] =	wrdreg $0xFFFFFFFF  }
0xad: {  	[dreg:$0x0] =	wrdreg $0x60  }
0xae: {  	[dreg:$0x2] =	wrdreg s24  }
0xaf: {  	[dreg:$0x3] =	wrdreg s2  }
0xb0: {  	[dreg:$0x4] =	wrdreg $0x0  }
0xb1: {  	[dreg:$0x5] =	wrdreg $0x9  }
0xb2: {  	_ =	task.clear_ibuf [dreg:s7], $0x6FFFF;
	_ =	strace $0x90000049  }
0xb3: {  	s29 =	simm.s32 $0x9;
	_ =	strace $0x8000004B  }
0xb4: {  	_ =	swait.ge [sflag:s29], $0x1  }
0xb5: {  	[sflag:s29] =	ssyncadd.s32 $0xFFFFFFFF  }
0xb6: {  	_ =	strace $0x9000004B  }
0xb7: {  	_ =	sfence  }
0xb8: {  	s30 =	sld [smem:$0x0];
	_ =	sdelay $0x2  }
0xb9: {  	s31 =	sshll.u32 s1, $0xD;
	s1 =	sshrl.u32 s1, $0x2  }
0xba: {  	s3 =	sand.u32 $0x4000, s31;
	s1 =	sadd.s32 s1, s30  }
0xbb: {  	s0 =	sor.u32 s3, s0;
	s1 =	sshll.u32 s1, $0x11  }
0xbc: {  	s0 =	sor.u32 s1, s0  }
0xbd: {  	s0 =	sadd.s32 $0x8F2B, s0  }
0xbe: {  	[sflag:s0] =	ssyncadd.remote.s32 $0x1  }
0xbf: {  	_ =	sfence.sel $0xFFFF  }
0xc0: {  	[dreg:$0x0] =	wrdreg $0xFFFFFFFF;
	(pc) =	sbr.abs _section_cstart, $3  }
0xc1: {  	[dreg:$0x1] =	wrdreg $0xFFFFFFFF  }
0xc2: {  	_ =	task.clear_ibuf [dreg:s7], $0x2FFFF;
	_ =	strace $0x9FFFFFFF  }
0xc3: {  	(tm) =	ssettm $0x7FFFFFFF  }
tec
execute0_lowered:
.L_overlay_start_1:
0x0: {  	(tag) =	ssettag $0x1  }
0x1: {  	s0 =	rddreg [dreg:$0x0]  }
0x2: {  	s1 =	srdreg.scid;
	s2 =	rddreg [dreg:$0x1]  }
0x3: {  	s3 =	rddreg [dreg:$0x2];
	s11 =	stileid.u32;
	s4 =	simm.s32 $0x0  }
0x4: {  	s28 =	simm.s32 $0x2;
	s29 =	simm.s32 $0x16C00;
	s30 =	simm.s32 $0x5  }
0x5: {  	s31 =	simm.s32 $0x14080;
	s1 =	sand.u32 $0x1, s1;
	s19 =	smul.u32 $0x50000, s11  }
0x6: {  	[smem:$0x7FF] =	sst s4;
	s7 =	sadd.s32 $0x3C00, s0;
	s23 =	smul.u32 $0x2800, s11  }
0x7: {  	s10 =	sshll.u32 s11, $0x6;
	s12 =	smul.u32 $0x7D00, s11;
	s5 =	sshll.u32 s1, $0x4  }
0x8: {  	_ =	strace $0x8000004A;
	[dreg:$0x4] =	wrdreg s7;
	s18 =	ssub.s32 $0x2, s1  }
0x9: {  	p0 =	seq.s32 s1, $0x1;
	s1 =	smul.u32 $0x7D000, s1;
	s13 =	sor.u32 $0x1C07, s10  }
0xa: {  	s10 =	simm.s32 $0x14380;
	s5 =	sor.u32 s11, s5;
	s8 =	sshrl.u32 s18, $0x1  }
0xb: {  	[dreg:$0x9] =	wrdreg s13;
	s6 =	smul.u32 $0x7D00, s5;
	s5 =	sadd.s32 $0x3C800, s0  }
0xc: {  	s7 =	ssub.s32 s18, s8;
	s24 =	sadd.s32 s12, s1;
	s18 =	simm.s32 $0x14000  }
0xd: {  	s7 =	smax.u32 s7, $0x1;
	s1 =	sadd.s32 $0x700, s24;
	s25 =	sadd.s32 $0x600, s24  }
0xe: {  	s26 =	sadd.s32 $0x500, s24;
	s6 =	sshrl.u32 s6, $0x3;
	[dreg:$0xa] =	wrdreg s7  }
0xf: {  	s1 =	sshrl.u32 s1, $0x3;
	s7 =	sshrl.u32 s25, $0x3;
	s8 =	sshrl.u32 s26, $0x3  }
0x10: {  	s25 =	simm.s32 $0x50;
	s26 =	simm.s32 $0x14400;
	s9 =	sadd.s32 s2, s6  }
0x11: {  	s6 =	sshrl.u32 s19, $0x2;
	s14 =	sadd.s32 s1, s2;
	s15 =	sadd.s32 s7, s2  }
0x12: {  	s16 =	sadd.s32 s8, s2;
	s19 =	simm.s32 $0x14100;
	s1 =	simm.s32 $0x6  }
0x13: {  	s8 =	simm.s32 $0x4;
	s20 =	sadd.s32 $0x20, s9;
	[dreg:$0x5] =	wrdreg s9  }
0x14: {  	s7 =	simm.s32 $0x0;
	s21 =	sadd.s32 $0x40, s9;
	[dreg:$0x6] =	wrdreg s20  }
0x15: {  	s22 =	sadd.s32 $0x60, s9;
	s9 =	simm.s32 $0xB4800;
	[dreg:$0x7] =	wrdreg s21  }
0x16: {  	s6 =	sadd.s32 s6, s3;
	[dreg:$0x8] =	wrdreg s22;
	s9 =	simm.s32 @!p0 $0x8C800  }
.Ltmp0:
0x17: {  	s20 =	simm.s32 $0x14200;
	s21 =	simm.s32 $0x14300;
	(pc) =	sbr.rel .LBB2_1-.Ltmp0, $4  }
0x18: {  	s12 =	sshrl.u32 s6, $0x3;
	s6 =	simm.s32 $0x14180;
	s0 =	sadd.s32 s9, s0  }
0x19: {  	s9 =	simm.s32 $0x14280;
	[dreg:$0xd] =	wrdreg s12;
	s0 =	sadd.s32 s0, s23  }
0x1a: {  	s23 =	simm.s32 $0x7;
	[dreg:$0xb] =	wrdreg s0;
	s0 =	sadd.s32 $0x400, s24  }
0x1b: {  	s24 =	simm.s32 $0x1;
	[dreg:$0xc] =	wrdreg s0;
	s0 =	simm.s32 $0x3  }
.LBB2_4:
0x1c: {  	_ =	swait.ge [sflag:s30], $0x2800  }
0x1d: {  	[sflag:s30] =	ssyncset.done $0x0  }
0x1e: {  	[sflag:s30] =	ssyncadd.s32 $0xFFFFD800  }
0x1f: {  	[spmem:s3] =	stream.indirect.scatter.add.f32 [tilespmem:s26], [sflag:$0x7], $0x80, s31, s25, $0xb8;
	[tilespmem:$0x19400] =	vst v63  }
0x20: {  	_ =	swait.ge [sflag:s23], $0x2800  }
0x21: {  	[sflag:s23] =	ssyncset.done $0x0  }
0x22: {  	[sflag:s23] =	ssyncadd.s32 $0xFFFFD800  }
0x23: {  	[bflag:$0x0] =	sbarrier.arrive $0xFFFF  }
0x24: {  	s13 =	rddreg [dreg:$0x9]  }
0x25: {  	s11 =	rddreg [dreg:$0xb]  }
0x26: {  	s12 =	rddreg [dreg:$0xd]  }
0x27: {  	[hbm:s11], [sflag:s13] =	dma.local [spmem:s12], $0x2800  }
0x28: {  	_ =	swait.ge [sflag:s23], $0x2800  }
0x29: {  	s7 =	sadd.s32 $0x1, s7;
	s22 =	rddreg [dreg:$0xa]  }
0x2a: {  	p0 =	sne.s32 s7, s22  }
.Ltmp1:
0x2b: {  	_ = 	snop;
	(pc) =	sbr.rel @!p0 .LBB2_5-.Ltmp1, $3  }
0x2c: {  	_ =	sdelay $0x1  }
0x2d: {  	[sflag:s23] =	ssyncset.done $0x0  }
0x2e: {  	[sflag:s23] =	ssyncadd.s32 $0xFFFFD800  }
.LBB2_1:
0x2f: {  	s11 =	rddreg [dreg:$0x5]  }
0x30: {  	s17 =	rddreg [dreg:$0x6]  }
0x31: {  	[tilespmem:s18], [sflag:$0x1] =	stream.linear.gather [hbm4b:s11+s4], $0x100, $0x38;
	[tilespmem:$0x19400] =	vst v63  }
0x32: {  	s22 =	rddreg [dreg:$0x7]  }
0x33: {  	[tilespmem:s19], [sflag:$0x2] =	stream.linear.gather [hbm4b:s17+s4], $0x100, $0x38;
	[tilespmem:$0x19400] =	vst v63  }
0x34: {  	s17 =	rddreg [dreg:$0x8]  }
0x35: {  	[tilespmem:s20], [sflag:$0x3] =	stream.linear.gather [hbm4b:s22+s4], $0x100, $0x38;
	[tilespmem:$0x19400] =	vst v63  }
0x36: {  	s22 =	rddreg [dreg:$0x4]  }
0x37: {  	[tilespmem:s21], [sflag:$0x4] =	stream.linear.gather [hbm4b:s17+s4], $0x100, $0x38;
	[tilespmem:$0x19400] =	vst v63  }
0x38: {  	[spmem:s12], [sflag:s13] =	dma.local [hbm:s22], $0x2800  }
0x39: {  	_ =	swait.ge [sflag:s23], $0x2800  }
0x3a: {  	[sflag:s23] =	ssyncset.done $0x0  }
0x3b: {  	[sflag:s23] =	ssyncadd.s32 $0xFFFFD800  }
0x3c: {  	_ =	swait.ge [sflag:s24], $0x100  }
0x3d: {  	[sflag:s24] =	ssyncset.done $0x0  }
0x3e: {  	[sflag:s24] =	ssyncadd.s32 $0xFFFFFF00  }
0x3f: {  	[tilespmem:s26], [sflag:$0x5] =	stream.indirect.gather [hbm4b:s5+s25], $0x80, s18, s25, $0xb8;
	[tilespmem:$0x19400] =	vst v63  }
0x40: {  	_ =	swait.ge [sflag:s28], $0x100  }
0x41: {  	[sflag:s28] =	ssyncset.done $0x0  }
0x42: {  	[sflag:s28] =	ssyncadd.s32 $0xFFFFFF00  }
0x43: {  	[tilespmem:s29], [sflag:$0x6] =	stream.indirect.gather [hbm4b:s5+s25], $0x80, s19, s25, $0xb8;
	[tilespmem:$0x19400] =	vst v63  }
0x44: {  	[bflag:$0x0] =	sbarrier.arrive $0xFFFF  }
0x45: {  	s13 =	simm.s32 $0x0;
	s17 =	rddreg [dreg:$0xc]  }
.LBB2_2:
0x46: {  	_ =	swait.ge [sflag:s30], $0x2800  }
0x47: {  	[sflag:s30] =	ssyncset.done $0x0  }
0x48: {  	[sflag:s30] =	ssyncadd.s32 $0xFFFFD800  }
0x49: {  	[spmem:s3] =	stream.indirect.scatter.add.f32 [tilespmem:s26], [sflag:$0x7], $0x80, s31, s25, $0xb8;
	[tilespmem:$0x19400] =	vst v63  }
0x4a: {  	_ =	swait.ge [sflag:s23], $0x2800  }
0x4b: {  	s12 =	sshrl.u32 s17, $0x3;
	[sflag:s23] =	ssyncset.done $0x0  }
0x4c: {  	s12 =	sadd.s32 s2, s12;
	[sflag:s23] =	ssyncadd.s32 $0xFFFFD800  }
0x4d: {  	[tilespmem:s18], [sflag:$0x1] =	stream.linear.gather [hbm4b:s12+s4], $0x100, $0x38;
	[tilespmem:$0x19400] =	vst v63  }
0x4e: {  	_ =	swait.ge [sflag:s0], $0x100  }
0x4f: {  	[sflag:s0] =	ssyncset.done $0x0  }
0x50: {  	[sflag:s0] =	ssyncadd.s32 $0xFFFFFF00  }
0x51: {  	[tilespmem:s26], [sflag:$0x5] =	stream.indirect.gather [hbm4b:s5+s25], $0x80, s20, s25, $0xb8;
	[tilespmem:$0x19400] =	vst v63  }
0x52: {  	_ =	swait.ge [sflag:s1], $0x2800  }
0x53: {  	[sflag:s1] =	ssyncset.done $0x0  }
0x54: {  	[sflag:s1] =	ssyncadd.s32 $0xFFFFD800  }
0x55: {  	[spmem:s3] =	stream.indirect.scatter.add.f32 [tilespmem:s29], [sflag:$0x7], $0x80, s6, s25, $0xb8;
	[tilespmem:$0x19400] =	vst v63  }
0x56: {  	p0 =	seq.s32 s13, $0xF00;
	_ =	swait.ge [sflag:s23], $0x2800  }
0x57: {  	s11 =	simm.s32 @!p0 $0x0;
	[sflag:s23] =	ssyncset.done $0x0  }
0x58: {  	s22 =	simm.s32 @!p0 $0x14100;
	s12 =	sadd.s32 @!p0 s13, s16;
	[sflag:s23] =	ssyncadd.s32 $0xFFFFD800  }
0x59: {  	[tilespmem:s22], [sflag:$0x2] =	stream.linear.gather @!p0 [hbm4b:s12+s11], $0x100, $0x38;
	[tilespmem:$0x19400] =	vst v63  }
0x5a: {  	_ =	swait.ge [sflag:s8], $0x100  }
0x5b: {  	[sflag:s8] =	ssyncset.done $0x0  }
0x5c: {  	[sflag:s8] =	ssyncadd.s32 $0xFFFFFF00  }
0x5d: {  	[tilespmem:s29], [sflag:$0x6] =	stream.indirect.gather [hbm4b:s5+s25], $0x80, s21, s25, $0xb8;
	[tilespmem:$0x19400] =	vst v63  }
0x5e: {  	_ =	swait.ge [sflag:s30], $0x2800  }
0x5f: {  	[sflag:s30] =	ssyncset.done $0x0  }
0x60: {  	[sflag:s30] =	ssyncadd.s32 $0xFFFFD800  }
0x61: {  	[spmem:s3] =	stream.indirect.scatter.add.f32 [tilespmem:s26], [sflag:$0x7], $0x80, s9, s25, $0xb8;
	[tilespmem:$0x19400] =	vst v63  }
0x62: {  	_ =	swait.ge [sflag:s23], $0x2800  }
0x63: {  	[sflag:s23] =	ssyncset.done $0x0  }
0x64: {  	s12 =	sadd.s32 @!p0 s13, s15;
	s22 =	simm.s32 @!p0 $0x14200;
	[sflag:s23] =	ssyncadd.s32 $0xFFFFD800  }
0x65: {  	[tilespmem:s22], [sflag:$0x3] =	stream.linear.gather @!p0 [hbm4b:s12+s11], $0x100, $0x38;
	[tilespmem:$0x19400] =	vst v63  }
0x66: {  	_ =	swait.ge [sflag:s24], $0x100  }
0x67: {  	[sflag:s24] =	ssyncset.done $0x0  }
0x68: {  	[sflag:s24] =	ssyncadd.s32 $0xFFFFFF00  }
0x69: {  	[tilespmem:s26], [sflag:$0x5] =	stream.indirect.gather [hbm4b:s5+s25], $0x80, s18, s25, $0xb8;
	[tilespmem:$0x19400] =	vst v63  }
0x6a: {  	_ =	swait.ge [sflag:s1], $0x2800  }
0x6b: {  	[sflag:s1] =	ssyncset.done $0x0  }
.Ltmp2:
0x6c: {  	[sflag:s1] =	ssyncadd.s32 $0xFFFFD800;
	(pc) =	sbr.rel @p0 .LBB2_4-.Ltmp2, $4  }
0x6d: {  	[spmem:s3] =	stream.indirect.scatter.add.f32 [tilespmem:s29], [sflag:$0x7], $0x80, s10, s25, $0xb8;
	[tilespmem:$0x19400] =	vst v63  }
0x6e: {  	_ =	swait.ge [sflag:s23], $0x2800  }
0x6f: {  	[sflag:s23] =	ssyncset.done $0x0  }
0x70: {  	[sflag:s23] =	ssyncadd.s32 $0xFFFFD800  }
0x71: {  	s11 =	sadd.s32 s13, s14  }
0x72: {  	[tilespmem:s21], [sflag:$0x4] =	stream.linear.gather [hbm4b:s11+s4], $0x100, $0x38;
	[tilespmem:$0x19400] =	vst v63  }
.Ltmp3:
0x73: {  	_ = 	snop;
	(pc) =	sbr.rel .LBB2_2-.Ltmp3, $4  }
0x74: {  	_ =	swait.ge [sflag:s28], $0x100  }
0x75: {  	[sflag:s28] =	ssyncset.done $0x0  }
0x76: {  	s13 =	sadd.s32 $0x80, s13;
	s17 =	sadd.s32 $0x400, s17;
	[sflag:s28] =	ssyncadd.s32 $0xFFFFFF00  }
0x77: {  	[tilespmem:s29], [sflag:$0x6] =	stream.indirect.gather [hbm4b:s5+s25], $0x80, s19, s25, $0xb8;
	[tilespmem:$0x19400] =	vst v63  }
.LBB2_5:
0x78: {  	_ =	sfence.sel $0x180000  }
0x79: {  	[bflag:$0x0] =	sbarrier.arrive $0xFFFF  }
0x7a: {  	_ =	strace $0x9000004A  }
0x7b: {  	s0 =	stileid.u32;
	[bflag:$0x2] =	sbarrier.arrive $0xFFFF  }
0x7c: {  	p0 =	sne.s32 s0, $0x0;
	s0 =	rddreg [dreg:$0x3]  }
0x7d: {  	s0 =	sadd.s32 @!p0 $0x100000, s0  }
0x7e: {  	[sflag:s0] =	ssyncadd.tile.s32 @!p0 $0x1;
	_ =	shalt  }
.Lfunc_end2:
_tile_overlayer_lowered:
.L_overlay_start_2:
0x7f: {  	(tag) =	ssettag $0x2  }
0x80: {  	s0 =	rddreg [dreg:$0x0];
	s2 =	stileid.u32  }
0x81: {  	s1 =	rddreg [dreg:$0x1];
	p0 =	sne.s32 s2, $0x0  }
0x82: {  	s3 =	rddreg [dreg:$0x2];
	[bflag:$0x3] =	sbarrier.arrive $0xFFFF;
	s2 =	simm.s32 @!p0 $0x1C07  }
0x83: {  	[timem:s3], [sflag:s2] =	dma.local @!p0 [hbm:s0], s1  }
0x84: {  	s0 =	simm.s32 @!p0 $0x7  }
0x85: {  	_ =	swait.ge @!p0 [sflag:s0], s1  }
0x86: {  	s1 =	ssub.s32 @!p0 $0x0, s1;
	[sflag:s0] =	ssyncset.done @!p0 $0x0  }
0x87: {  	[sflag:s0] =	ssyncadd.s32 @!p0 s1  }
0x88: {  	[bflag:$0x3] =	sbarrier.arrive $0xFFFF  }
0x89: {  	_ =	shalt  }

// kernel: kernel.14.cloned.1.call-start
scs
__scs_entry_jumppad:
0x0: {  	(pc) =	sbr.rel $0x88, $3  }
0x1: {  	(tag) =	ssettag $0x0;
	lr =	simm.s32 $0x1  }
0x2: {  	[smem:$0x3F9D] =	sst lr;
	_ =	strace $0xD0000000  }
0x3: {  	_ = 	snop  }
0x4: {  	_ = 	snop  }
0x5: {  	_ = 	snop  }
0x6: {  	_ = 	snop  }
0x7: {  	_ = 	snop  }
__scs_overlays_trampoline_lowered:
0x8: {  	[smem:$0x3FAC] =	sst s0  }
0x9: {  	[smem:$0x3FAD] =	sst s1  }
0xa: {  	[smem:$0x3FAE] =	sst s2  }
0xb: {  	[smem:$0x3FAF] =	sst s3  }
0xc: {  	[smem:$0x3FB0] =	sst s4  }
0xd: {  	[smem:$0x3FB1] =	sst s5  }
0xe: {  	[smem:$0x3FB2] =	sst s6  }
0xf: {  	[smem:$0x3FB3] =	sst s7  }
0x10: {  	[smem:$0x3FB4] =	sst s8  }
0x11: {  	[smem:$0x3FB5] =	sst s9;
	s0 =	simm.s32 @!p0 $0x0  }
0x12: {  	s1 =	sld [smem:$0x3F9B];
	s0 =	simm.s32 @p0 $0x1  }
0x13: {  	[smem:$0x3FB6] =	sst s0;
	s0 =	simm.s32 @!p1 $0x0  }
0x14: {  	s2 =	sld [smem:$0x3F9A];
	s0 =	simm.s32 @p1 $0x1  }
0x15: {  	[smem:$0x3FB7] =	sst s0;
	s0 =	simm.s32 @!p2 $0x0  }
0x16: {  	s3 =	sld [smem:$0x3FDB];
	s0 =	simm.s32 @p2 $0x1  }
0x17: {  	s4 =	simm.s32 $0x1BF5;
	[smem:$0x3FB9] =	sst s0  }
0x18: {  	s0 =	sld [smem:$0x3F9C];
	_ =	swait.ge [sflag:s4], $0x0  }
0x19: {  	s7 =	sld [smem:$0x3F9D]  }
0x1a: {  	s8 =	sadd.s32 $0xFFFFE003, lr  }
0x1b: {  	s9 =	sadd.s32 $0xFFFFFEF7, lr;
	s5 =	simm.s32 $0xFFFFFFFF;
	p2 =	slt.u32 s8, $0xFFFFF086  }
0x1c: {  	p1 =	slt.u32 s9, $0xF7A;
	s5 =	simm.s32 @!p2 $0x0  }
0x1d: {  	s5 =	simm.s32 @p1 $0x1;
	p0 =	seq.s32 s7, s2  }
0x1e: {  	s7 =	smul.u32 @!p0 $0xF7A, s2;
	p2 =	seq.s32 @!p0 s5, $0x0  }
0x1f: {  	s9 =	smul.u32 $0xF7A, s1;
	s8 =	simm.s32 @!p0 $0x1BF5;
	p2 =	por !p2, p0  }
0x20: {  	[sflag:s8] =	ssyncset.s32 @!p0 $0xFFFFF086;
	s6 =	sadd.s32 @!p0 s3, s7;
	s7 =	simm.s32 @!p0 $0x108  }
0x21: {  	s3 =	sadd.s32 s3, s9;
	s6 =	sadd.s32 @!p0 $0x88, s6;
	s7 =	simm.s32 @p2 $0x1082  }
0x22: {  	[simem:s7], [sflag:s8] =	dma.local @!p0 [hbm:s6], $0xF7A  }
0x23: {  	s9 =	sor.u32 $0xD0000000, s2;
	s6 =	simm.s32 $0x108;
	_ =	swait.ge @!p0 [sflag:s8], $0x0  }
0x24: {  	s3 =	sadd.s32 $0x88, s3;
	s6 =	simm.s32 @!p1 $0x1082;
	[sflag:s4] =	ssyncset.s32 $0xFFFFF086  }
0x25: {  	[simem:s6], [sflag:s4] =	dma.local [hbm:s3], $0xF7A  }
0x26: {  	[smem:$0x3F9D] =	sst s1;
	(tag) =	ssettag s2;
	_ =	strace s9  }
0x27: {  	s1 =	sld [smem:$0x3FAD]  }
0x28: {  	s2 =	sld [smem:$0x3FAE]  }
0x29: {  	s4 =	sld [smem:$0x3FB0]  }
0x2a: {  	p0 =	seq.s32 s5, $0x0;
	s5 =	sld [smem:$0x3FB1]  }
0x2b: {  	s6 =	sld [smem:$0x3FB2]  }
0x2c: {  	s7 =	sld [smem:$0x3FB3]  }
0x2d: {  	s3 =	simm.s32 $0x108;
	s8 =	sld [smem:$0x3FB4]  }
0x2e: {  	s3 =	simm.s32 @!p0 $0x1082;
	s9 =	sld [smem:$0x3FB5]  }
0x2f: {  	lr =	sadd.s32 s0, s3;
	s0 =	sld [smem:$0x3FAC]  }
0x30: {  	s3 =	sld [smem:$0x3FAF]  }
0x31: {  	[smem:$0x3FB8] =	sst s10  }
0x32: {  	s10 =	sld [smem:$0x3FB6];
	_ =	sdelay $0x3  }
0x33: {  	p0 =	seq.s32 s10, $0x1;
	s10 =	sld [smem:$0x3FB8];
	_ =	sdelay $0x3  }
0x34: {  	[smem:$0x3FB8] =	sst s10  }
0x35: {  	s10 =	sld [smem:$0x3FB7];
	_ =	sdelay $0x3  }
0x36: {  	p1 =	seq.s32 s10, $0x1;
	s10 =	sld [smem:$0x3FB8];
	_ =	sdelay $0x3  }
0x37: {  	[smem:$0x3FB8] =	sst s10  }
0x38: {  	s10 =	sld [smem:$0x3FB9]  }
0x39: {  	_ = 	snop;
	(pc) =	sbr.ind lr, $3  }
0x3a: {  	_ = 	snop  }
0x3b: {  	_ = 	snop  }
0x3c: {  	p2 =	seq.s32 s10, $0x1;
	s10 =	sld [smem:$0x3FB8]  }
0x3d: {  	_ =	shalt  }
0x3e: {  	_ =	shalt  }
0x3f: {  	_ =	shalt  }
0x40: {  	_ =	shalt  }
0x41: {  	_ =	shalt  }
0x42: {  	_ =	shalt  }
0x43: {  	_ =	shalt  }
0x44: {  	_ =	shalt  }
0x45: {  	_ =	shalt  }
0x46: {  	_ =	shalt  }
0x47: {  	_ =	shalt  }
0x48: {  	_ =	shalt  }
0x49: {  	_ =	shalt  }
0x4a: {  	_ =	shalt  }
0x4b: {  	_ =	shalt  }
0x4c: {  	_ =	shalt  }
0x4d: {  	_ =	shalt  }
0x4e: {  	_ =	shalt  }
0x4f: {  	_ =	shalt  }
0x50: {  	_ =	shalt  }
0x51: {  	_ =	shalt  }
0x52: {  	_ =	shalt  }
0x53: {  	_ =	shalt  }
0x54: {  	_ =	shalt  }
0x55: {  	_ =	shalt  }
0x56: {  	_ =	shalt  }
0x57: {  	_ =	shalt  }
0x58: {  	_ =	shalt  }
0x59: {  	_ =	shalt  }
0x5a: {  	_ =	shalt  }
0x5b: {  	_ =	shalt  }
0x5c: {  	_ =	shalt  }
0x5d: {  	_ =	shalt  }
0x5e: {  	_ =	shalt  }
0x5f: {  	_ =	shalt  }
0x60: {  	_ =	shalt  }
0x61: {  	_ =	shalt  }
0x62: {  	_ =	shalt  }
0x63: {  	_ =	shalt  }
0x64: {  	_ =	shalt  }
0x65: {  	_ =	shalt  }
0x66: {  	_ =	shalt  }
0x67: {  	_ =	shalt  }
0x68: {  	_ =	shalt  }
0x69: {  	_ =	shalt  }
0x6a: {  	_ =	shalt  }
0x6b: {  	_ =	shalt  }
0x6c: {  	_ =	shalt  }
0x6d: {  	_ =	shalt  }
0x6e: {  	_ =	shalt  }
0x6f: {  	_ =	shalt  }
0x70: {  	_ =	shalt  }
0x71: {  	_ =	shalt  }
0x72: {  	_ =	shalt  }
0x73: {  	_ =	shalt  }
0x74: {  	_ =	shalt  }
0x75: {  	_ =	shalt  }
0x76: {  	_ =	shalt  }
0x77: {  	_ =	shalt  }
0x78: {  	_ =	shalt  }
0x79: {  	_ =	shalt  }
0x7a: {  	_ =	shalt  }
0x7b: {  	_ =	shalt  }
0x7c: {  	_ =	shalt  }
0x7d: {  	_ =	shalt  }
0x7e: {  	_ =	shalt  }
0x7f: {  	_ =	shalt  }
0x80: {  	_ =	shalt  }
0x81: {  	_ =	shalt  }
0x82: {  	_ =	shalt  }
0x83: {  	_ =	shalt  }
0x84: {  	_ =	shalt  }
0x85: {  	_ =	shalt  }
0x86: {  	_ =	shalt  }
0x87: {  	_ =	shalt  }
.Lfunc_end0:
.L_simem_size_0:
called_computation.2_lowered:
.L_overlay_start_0:
0x88: {  	s2 =	sld [smem:$0x3FD9]  }
0x89: {  	s3 =	sld [smem:$0x3FFE];
	_ =	sdelay $0x1  }
0x8a: {  	s1 =	srdreg.scid  }
0x8b: {  	s0 =	sand.u32 $0x1, s1  }
0x8c: {  	s17 =	sshll.u32 s0, $0xA;
	s2 =	sadd.s32 s3, s2  }
0x8d: {  	s2 =	sadd.s32 s2, s17  }
0x8e: {  	[smem:$0x3FC4] =	sst s2  }
0x8f: {  	_ = 	snop  }
0x90: {  	s2 =	sld [smem:$0x3FD0];
	(tm) =	ssettm $0x1  }
0x91: {  	s18 =	sld [smem:$0x3FFB];
	_ =	sdelay $0x3  }
0x92: {  	_ =	strace s18  }
0x93: {  	s3 =	sld [smem:$0x3FFC];
	_ =	sdelay $0x3  }
0x94: {  	_ =	strace s3  }
0x95: {  	s3 =	sld [smem:$0x3FFD];
	_ =	sdelay $0x3  }
0x96: {  	_ =	strace s3  }
0x97: {  	_ =	strace $0x8FFFFFFF  }
0x98: {  	s19 =	sld [smem:$0x3FDB];
	_ =	sdelay $0x1  }
0x99: {  	s4 =	simm.s32 $_scs_section_size  }
0x9a: {  	s5 =	simm.s32 $_size__tile_overlayer_lowered;
	s6 =	simm.s32 $_tile_overlayer_lowered  }
0x9b: {  	s22 =	simm.s32 $0x1BFF;
	s21 =	sshll.u32 s6, $0x1;
	s3 =	sadd.s32 s4, s19  }
0x9c: {  	s7 =	simm.s32 $0x0;
	s20 =	sshll.u32 s5, $0x1;
	s5 =	sadd.s32 s21, s3  }
0x9d: {  	[timem:s7], [sflag:s22] =	dma.local [hbm:s5], s20  }
0x9e: {  	_ =	swait.ge [sflag:s22], s20  }
0x9f: {  	s4 =	ssub.s32 $0x0, s20;
	[sflag:s22] =	ssyncset.done $0x0  }
0xa0: {  	[sflag:s22] =	ssyncadd.s32 s4;
	_ =	sdelay $0x1  }
0xa1: {  	s23 =	simm.s32 $0x1B8B  }
0xa2: {  	_ =	swait.ge [sflag:s23], $0x1  }
0xa3: {  	[sflag:s23] =	ssyncset.done $0x0  }
0xa4: {  	s25 =	simm.s32 $0x1B8E;
	s24 =	sld [smem:$0x3FFE];
	[sflag:s23] =	ssyncadd.s32 $0xFFFFFFFF  }
0xa5: {  	s26 =	simm.s32 $execute0_lowered;
	[smem:$0x3FD2] =	sst s25  }
0xa6: {  	s5 =	sshll.u32 s26, $0x1;
	_ =	strace $0x8000004C;
	[dreg:$0x1] =	wrdreg $0xFFFFFFFF  }
0xa7: {  	s28 =	simm.s32 $_size_execute0_lowered;
	s3 =	sadd.s32 s3, s5;
	[dreg:$0x0] =	wrdreg $0x0  }
0xa8: {  	s5 =	sshll.u32 s28, $0x1;
	[dreg:$0x2] =	wrdreg s3  }
0xa9: {  	[dreg:$0x3] =	wrdreg s5  }
0xaa: {  	[dreg:$0x4] =	wrdreg $0xC0  }
0xab: {  	_ =	task [dreg:s7], $0x5FFFF  }
0xac: {  	[dreg:$0x1] =	wrdreg $0xFFFFFFFF  }
0xad: {  	[dreg:$0x0] =	wrdreg $0x60  }
0xae: {  	[dreg:$0x2] =	wrdreg s24  }
0xaf: {  	[dreg:$0x3] =	wrdreg s2  }
0xb0: {  	[dreg:$0x4] =	wrdreg $0x0  }
0xb1: {  	[dreg:$0x5] =	wrdreg $0x9  }
0xb2: {  	_ =	task.clear_ibuf [dreg:s7], $0x6FFFF;
	_ =	strace $0x9000004C  }
0xb3: {  	s29 =	simm.s32 $0x9;
	_ =	strace $0x8000004E  }
0xb4: {  	_ =	swait.ge [sflag:s29], $0x1  }
0xb5: {  	[sflag:s29] =	ssyncadd.s32 $0xFFFFFFFF  }
0xb6: {  	_ =	strace $0x9000004E  }
0xb7: {  	_ =	sfence  }
0xb8: {  	s30 =	sld [smem:$0x0];
	_ =	sdelay $0x2  }
0xb9: {  	s31 =	sshll.u32 s1, $0xD;
	s1 =	sshrl.u32 s1, $0x2  }
0xba: {  	s3 =	sand.u32 $0x4000, s31;
	s1 =	sadd.s32 s1, s30  }
0xbb: {  	s0 =	sor.u32 s3, s0;
	s1 =	sshll.u32 s1, $0x11  }
0xbc: {  	s0 =	sor.u32 s1, s0  }
0xbd: {  	s0 =	sadd.s32 $0x8F2B, s0  }
0xbe: {  	[sflag:s0] =	ssyncadd.remote.s32 $0x1  }
0xbf: {  	_ =	sfence.sel $0xFFFF  }
0xc0: {  	[dreg:$0x0] =	wrdreg $0xFFFFFFFF;
	(pc) =	sbr.abs _section_cstart, $3  }
0xc1: {  	[dreg:$0x1] =	wrdreg $0xFFFFFFFF  }
0xc2: {  	_ =	task.clear_ibuf [dreg:s7], $0x2FFFF;
	_ =	strace $0x9FFFFFFF  }
0xc3: {  	(tm) =	ssettm $0x7FFFFFFF  }
tec
execute0_lowered:
.L_overlay_start_1:
0x0: {  	(tag) =	ssettag $0x1  }
0x1: {  	s0 =	rddreg [dreg:$0x0]  }
0x2: {  	s1 =	srdreg.scid;
	s2 =	rddreg [dreg:$0x1]  }
0x3: {  	s3 =	rddreg [dreg:$0x2];
	s11 =	stileid.u32;
	s4 =	simm.s32 $0x0  }
0x4: {  	s28 =	simm.s32 $0x2;
	s29 =	simm.s32 $0x16C00;
	s30 =	simm.s32 $0x5  }
0x5: {  	s31 =	simm.s32 $0x14080;
	s1 =	sand.u32 $0x1, s1;
	s19 =	smul.u32 $0x50000, s11  }
0x6: {  	[smem:$0x7FF] =	sst s4;
	s7 =	sadd.s32 $0x3C00, s0;
	s23 =	smul.u32 $0x2800, s11  }
0x7: {  	s10 =	sshll.u32 s11, $0x6;
	s12 =	smul.u32 $0x7D00, s11;
	s5 =	sshll.u32 s1, $0x4  }
0x8: {  	_ =	strace $0x8000004D;
	[dreg:$0x4] =	wrdreg s7;
	s18 =	ssub.s32 $0x2, s1  }
0x9: {  	p0 =	seq.s32 s1, $0x1;
	s1 =	smul.u32 $0x7D000, s1;
	s13 =	sor.u32 $0x1C07, s10  }
0xa: {  	s10 =	simm.s32 $0x14380;
	s5 =	sor.u32 s11, s5;
	s8 =	sshrl.u32 s18, $0x1  }
0xb: {  	[dreg:$0x9] =	wrdreg s13;
	s6 =	smul.u32 $0x7D00, s5;
	s5 =	sadd.s32 $0x3C800, s0  }
0xc: {  	s7 =	ssub.s32 s18, s8;
	s24 =	sadd.s32 s12, s1;
	s18 =	simm.s32 $0x14000  }
0xd: {  	s7 =	smax.u32 s7, $0x1;
	s1 =	sadd.s32 $0x700, s24;
	s25 =	sadd.s32 $0x600, s24  }
0xe: {  	s26 =	sadd.s32 $0x500, s24;
	s6 =	sshrl.u32 s6, $0x3;
	[dreg:$0xa] =	wrdreg s7  }
0xf: {  	s1 =	sshrl.u32 s1, $0x3;
	s7 =	sshrl.u32 s25, $0x3;
	s8 =	sshrl.u32 s26, $0x3  }
0x10: {  	s25 =	simm.s32 $0x50;
	s26 =	simm.s32 $0x14400;
	s9 =	sadd.s32 s2, s6  }
0x11: {  	s6 =	sshrl.u32 s19, $0x2;
	s14 =	sadd.s32 s1, s2;
	s15 =	sadd.s32 s7, s2  }
0x12: {  	s16 =	sadd.s32 s8, s2;
	s19 =	simm.s32 $0x14100;
	s1 =	simm.s32 $0x6  }
0x13: {  	s8 =	simm.s32 $0x4;
	s20 =	sadd.s32 $0x20, s9;
	[dreg:$0x5] =	wrdreg s9  }
0x14: {  	s7 =	simm.s32 $0x0;
	s21 =	sadd.s32 $0x40, s9;
	[dreg:$0x6] =	wrdreg s20  }
0x15: {  	s22 =	sadd.s32 $0x60, s9;
	s9 =	simm.s32 $0xB4800;
	[dreg:$0x7] =	wrdreg s21  }
0x16: {  	s6 =	sadd.s32 s6, s3;
	[dreg:$0x8] =	wrdreg s22;
	s9 =	simm.s32 @!p0 $0x8C800  }
.Ltmp0:
0x17: {  	s20 =	simm.s32 $0x14200;
	s21 =	simm.s32 $0x14300;
	(pc) =	sbr.rel .LBB2_1-.Ltmp0, $4  }
0x18: {  	s12 =	sshrl.u32 s6, $0x3;
	s6 =	simm.s32 $0x14180;
	s0 =	sadd.s32 s9, s0  }
0x19: {  	s9 =	simm.s32 $0x14280;
	[dreg:$0xd] =	wrdreg s12;
	s0 =	sadd.s32 s0, s23  }
0x1a: {  	s23 =	simm.s32 $0x7;
	[dreg:$0xb] =	wrdreg s0;
	s0 =	sadd.s32 $0x400, s24  }
0x1b: {  	s24 =	simm.s32 $0x1;
	[dreg:$0xc] =	wrdreg s0;
	s0 =	simm.s32 $0x3  }
.LBB2_4:
0x1c: {  	_ =	swait.ge [sflag:s30], $0x2800  }
0x1d: {  	[sflag:s30] =	ssyncset.done $0x0  }
0x1e: {  	[sflag:s30] =	ssyncadd.s32 $0xFFFFD800  }
0x1f: {  	[spmem:s3] =	stream.indirect.scatter.add.f32 [tilespmem:s26], [sflag:$0x7], $0x80, s31, s25, $0xb8;
	[tilespmem:$0x19400] =	vst v63  }
0x20: {  	_ =	swait.ge [sflag:s23], $0x2800  }
0x21: {  	[sflag:s23] =	ssyncset.done $0x0  }
0x22: {  	[sflag:s23] =	ssyncadd.s32 $0xFFFFD800  }
0x23: {  	[bflag:$0x0] =	sbarrier.arrive $0xFFFF  }
0x24: {  	s13 =	rddreg [dreg:$0x9]  }
0x25: {  	s11 =	rddreg [dreg:$0xb]  }
0x26: {  	s12 =	rddreg [dreg:$0xd]  }
0x27: {  	[hbm:s11], [sflag:s13] =	dma.local [spmem:s12], $0x2800  }
0x28: {  	_ =	swait.ge [sflag:s23], $0x2800  }
0x29: {  	s7 =	sadd.s32 $0x1, s7;
	s22 =	rddreg [dreg:$0xa]  }
0x2a: {  	p0 =	sne.s32 s7, s22  }
.Ltmp1:
0x2b: {  	_ = 	snop;
	(pc) =	sbr.rel @!p0 .LBB2_5-.Ltmp1, $3  }
0x2c: {  	_ =	sdelay $0x1  }
0x2d: {  	[sflag:s23] =	ssyncset.done $0x0  }
0x2e: {  	[sflag:s23] =	ssyncadd.s32 $0xFFFFD800  }
.LBB2_1:
0x2f: {  	s11 =	rddreg [dreg:$0x5]  }
0x30: {  	s17 =	rddreg [dreg:$0x6]  }
0x31: {  	[tilespmem:s18], [sflag:$0x1] =	stream.linear.gather [hbm4b:s11+s4], $0x100, $0x38;
	[tilespmem:$0x19400] =	vst v63  }
0x32: {  	s22 =	rddreg [dreg:$0x7]  }
0x33: {  	[tilespmem:s19], [sflag:$0x2] =	stream.linear.gather [hbm4b:s17+s4], $0x100, $0x38;
	[tilespmem:$0x19400] =	vst v63  }
0x34: {  	s17 =	rddreg [dreg:$0x8]  }
0x35: {  	[tilespmem:s20], [sflag:$0x3] =	stream.linear.gather [hbm4b:s22+s4], $0x100, $0x38;
	[tilespmem:$0x19400] =	vst v63  }
0x36: {  	s22 =	rddreg [dreg:$0x4]  }
0x37: {  	[tilespmem:s21], [sflag:$0x4] =	stream.linear.gather [hbm4b:s17+s4], $0x100, $0x38;
	[tilespmem:$0x19400] =	vst v63  }
0x38: {  	[spmem:s12], [sflag:s13] =	dma.local [hbm:s22], $0x2800  }
0x39: {  	_ =	swait.ge [sflag:s23], $0x2800  }
0x3a: {  	[sflag:s23] =	ssyncset.done $0x0  }
0x3b: {  	[sflag:s23] =	ssyncadd.s32 $0xFFFFD800  }
0x3c: {  	_ =	swait.ge [sflag:s24], $0x100  }
0x3d: {  	[sflag:s24] =	ssyncset.done $0x0  }
0x3e: {  	[sflag:s24] =	ssyncadd.s32 $0xFFFFFF00  }
0x3f: {  	[tilespmem:s26], [sflag:$0x5] =	stream.indirect.gather [hbm4b:s5+s25], $0x80, s18, s25, $0xb8;
	[tilespmem:$0x19400] =	vst v63  }
0x40: {  	_ =	swait.ge [sflag:s28], $0x100  }
0x41: {  	[sflag:s28] =	ssyncset.done $0x0  }
0x42: {  	[sflag:s28] =	ssyncadd.s32 $0xFFFFFF00  }
0x43: {  	[tilespmem:s29], [sflag:$0x6] =	stream.indirect.gather [hbm4b:s5+s25], $0x80, s19, s25, $0xb8;
	[tilespmem:$0x19400] =	vst v63  }
0x44: {  	[bflag:$0x0] =	sbarrier.arrive $0xFFFF  }
0x45: {  	s13 =	simm.s32 $0x0;
	s17 =	rddreg [dreg:$0xc]  }
.LBB2_2:
0x46: {  	_ =	swait.ge [sflag:s30], $0x2800  }
0x47: {  	[sflag:s30] =	ssyncset.done $0x0  }
0x48: {  	[sflag:s30] =	ssyncadd.s32 $0xFFFFD800  }
0x49: {  	[spmem:s3] =	stream.indirect.scatter.add.f32 [tilespmem:s26], [sflag:$0x7], $0x80, s31, s25, $0xb8;
	[tilespmem:$0x19400] =	vst v63  }
0x4a: {  	_ =	swait.ge [sflag:s23], $0x2800  }
0x4b: {  	s12 =	sshrl.u32 s17, $0x3;
	[sflag:s23] =	ssyncset.done $0x0  }
0x4c: {  	s12 =	sadd.s32 s2, s12;
	[sflag:s23] =	ssyncadd.s32 $0xFFFFD800  }
0x4d: {  	[tilespmem:s18], [sflag:$0x1] =	stream.linear.gather [hbm4b:s12+s4], $0x100, $0x38;
	[tilespmem:$0x19400] =	vst v63  }
0x4e: {  	_ =	swait.ge [sflag:s0], $0x100  }
0x4f: {  	[sflag:s0] =	ssyncset.done $0x0  }
0x50: {  	[sflag:s0] =	ssyncadd.s32 $0xFFFFFF00  }
0x51: {  	[tilespmem:s26], [sflag:$0x5] =	stream.indirect.gather [hbm4b:s5+s25], $0x80, s20, s25, $0xb8;
	[tilespmem:$0x19400] =	vst v63  }
0x52: {  	_ =	swait.ge [sflag:s1], $0x2800  }
0x53: {  	[sflag:s1] =	ssyncset.done $0x0  }
0x54: {  	[sflag:s1] =	ssyncadd.s32 $0xFFFFD800  }
0x55: {  	[spmem:s3] =	stream.indirect.scatter.add.f32 [tilespmem:s29], [sflag:$0x7], $0x80, s6, s25, $0xb8;
	[tilespmem:$0x19400] =	vst v63  }
0x56: {  	p0 =	seq.s32 s13, $0xF00;
	_ =	swait.ge [sflag:s23], $0x2800  }
0x57: {  	s11 =	simm.s32 @!p0 $0x0;
	[sflag:s23] =	ssyncset.done $0x0  }
0x58: {  	s22 =	simm.s32 @!p0 $0x14100;
	s12 =	sadd.s32 @!p0 s13, s16;
	[sflag:s23] =	ssyncadd.s32 $0xFFFFD800  }
0x59: {  	[tilespmem:s22], [sflag:$0x2] =	stream.linear.gather @!p0 [hbm4b:s12+s11], $0x100, $0x38;
	[tilespmem:$0x19400] =	vst v63  }
0x5a: {  	_ =	swait.ge [sflag:s8], $0x100  }
0x5b: {  	[sflag:s8] =	ssyncset.done $0x0  }
0x5c: {  	[sflag:s8] =	ssyncadd.s32 $0xFFFFFF00  }
0x5d: {  	[tilespmem:s29], [sflag:$0x6] =	stream.indirect.gather [hbm4b:s5+s25], $0x80, s21, s25, $0xb8;
	[tilespmem:$0x19400] =	vst v63  }
0x5e: {  	_ =	swait.ge [sflag:s30], $0x2800  }
0x5f: {  	[sflag:s30] =	ssyncset.done $0x0  }
0x60: {  	[sflag:s30] =	ssyncadd.s32 $0xFFFFD800  }
0x61: {  	[spmem:s3] =	stream.indirect.scatter.add.f32 [tilespmem:s26], [sflag:$0x7], $0x80, s9, s25, $0xb8;
	[tilespmem:$0x19400] =	vst v63  }
0x62: {  	_ =	swait.ge [sflag:s23], $0x2800  }
0x63: {  	[sflag:s23] =	ssyncset.done $0x0  }
0x64: {  	s12 =	sadd.s32 @!p0 s13, s15;
	s22 =	simm.s32 @!p0 $0x14200;
	[sflag:s23] =	ssyncadd.s32 $0xFFFFD800  }
0x65: {  	[tilespmem:s22], [sflag:$0x3] =	stream.linear.gather @!p0 [hbm4b:s12+s11], $0x100, $0x38;
	[tilespmem:$0x19400] =	vst v63  }
0x66: {  	_ =	swait.ge [sflag:s24], $0x100  }
0x67: {  	[sflag:s24] =	ssyncset.done $0x0  }
0x68: {  	[sflag:s24] =	ssyncadd.s32 $0xFFFFFF00  }
0x69: {  	[tilespmem:s26], [sflag:$0x5] =	stream.indirect.gather [hbm4b:s5+s25], $0x80, s18, s25, $0xb8;
	[tilespmem:$0x19400] =	vst v63  }
0x6a: {  	_ =	swait.ge [sflag:s1], $0x2800  }
0x6b: {  	[sflag:s1] =	ssyncset.done $0x0  }
.Ltmp2:
0x6c: {  	[sflag:s1] =	ssyncadd.s32 $0xFFFFD800;
	(pc) =	sbr.rel @p0 .LBB2_4-.Ltmp2, $4  }
0x6d: {  	[spmem:s3] =	stream.indirect.scatter.add.f32 [tilespmem:s29], [sflag:$0x7], $0x80, s10, s25, $0xb8;
	[tilespmem:$0x19400] =	vst v63  }
0x6e: {  	_ =	swait.ge [sflag:s23], $0x2800  }
0x6f: {  	[sflag:s23] =	ssyncset.done $0x0  }
0x70: {  	[sflag:s23] =	ssyncadd.s32 $0xFFFFD800  }
0x71: {  	s11 =	sadd.s32 s13, s14  }
0x72: {  	[tilespmem:s21], [sflag:$0x4] =	stream.linear.gather [hbm4b:s11+s4], $0x100, $0x38;
	[tilespmem:$0x19400] =	vst v63  }
.Ltmp3:
0x73: {  	_ = 	snop;
	(pc) =	sbr.rel .LBB2_2-.Ltmp3, $4  }
0x74: {  	_ =	swait.ge [sflag:s28], $0x100  }
0x75: {  	[sflag:s28] =	ssyncset.done $0x0  }
0x76: {  	s13 =	sadd.s32 $0x80, s13;
	s17 =	sadd.s32 $0x400, s17;
	[sflag:s28] =	ssyncadd.s32 $0xFFFFFF00  }
0x77: {  	[tilespmem:s29], [sflag:$0x6] =	stream.indirect.gather [hbm4b:s5+s25], $0x80, s19, s25, $0xb8;
	[tilespmem:$0x19400] =	vst v63  }
.LBB2_5:
0x78: {  	_ =	sfence.sel $0x180000  }
0x79: {  	[bflag:$0x0] =	sbarrier.arrive $0xFFFF  }
0x7a: {  	_ =	strace $0x9000004D  }
0x7b: {  	s0 =	stileid.u32;
	[bflag:$0x2] =	sbarrier.arrive $0xFFFF  }
0x7c: {  	p0 =	sne.s32 s0, $0x0;
	s0 =	rddreg [dreg:$0x3]  }
0x7d: {  	s0 =	sadd.s32 @!p0 $0x100000, s0  }
0x7e: {  	[sflag:s0] =	ssyncadd.tile.s32 @!p0 $0x1;
	_ =	shalt  }
.Lfunc_end2:
_tile_overlayer_lowered:
.L_overlay_start_2:
0x7f: {  	(tag) =	ssettag $0x2  }
0x80: {  	s0 =	rddreg [dreg:$0x0];
	s2 =	stileid.u32  }
0x81: {  	s1 =	rddreg [dreg:$0x1];
	p0 =	sne.s32 s2, $0x0  }
0x82: {  	s3 =	rddreg [dreg:$0x2];
	[bflag:$0x3] =	sbarrier.arrive $0xFFFF;
	s2 =	simm.s32 @!p0 $0x1C07  }
0x83: {  	[timem:s3], [sflag:s2] =	dma.local @!p0 [hbm:s0], s1  }
0x84: {  	s0 =	simm.s32 @!p0 $0x7  }
0x85: {  	_ =	swait.ge @!p0 [sflag:s0], s1  }
0x86: {  	s1 =	ssub.s32 @!p0 $0x0, s1;
	[sflag:s0] =	ssyncset.done @!p0 $0x0  }
0x87: {  	[sflag:s0] =	ssyncadd.s32 @!p0 s1  }
0x88: {  	[bflag:$0x3] =	sbarrier.arrive $0xFFFF  }
0x89: {  	_ =	shalt  }

// kernel: kernel.8.cloned.1.call-start
scs
__scs_entry_jumppad:
0x0: {  	(pc) =	sbr.rel $0x88, $3  }
0x1: {  	(tag) =	ssettag $0x0;
	lr =	simm.s32 $0x1  }
0x2: {  	[smem:$0x3F9D] =	sst lr;
	_ =	strace $0xD0000000  }
0x3: {  	_ = 	snop  }
0x4: {  	_ = 	snop  }
0x5: {  	_ = 	snop  }
0x6: {  	_ = 	snop  }
0x7: {  	_ = 	snop  }
__scs_overlays_trampoline_lowered:
0x8: {  	[smem:$0x3FAC] =	sst s0  }
0x9: {  	[smem:$0x3FAD] =	sst s1  }
0xa: {  	[smem:$0x3FAE] =	sst s2  }
0xb: {  	[smem:$0x3FAF] =	sst s3  }
0xc: {  	[smem:$0x3FB0] =	sst s4  }
0xd: {  	[smem:$0x3FB1] =	sst s5  }
0xe: {  	[smem:$0x3FB2] =	sst s6  }
0xf: {  	[smem:$0x3FB3] =	sst s7  }
0x10: {  	[smem:$0x3FB4] =	sst s8  }
0x11: {  	[smem:$0x3FB5] =	sst s9;
	s0 =	simm.s32 @!p0 $0x0  }
0x12: {  	s1 =	sld [smem:$0x3F9B];
	s0 =	simm.s32 @p0 $0x1  }
0x13: {  	[smem:$0x3FB6] =	sst s0;
	s0 =	simm.s32 @!p1 $0x0  }
0x14: {  	s2 =	sld [smem:$0x3F9A];
	s0 =	simm.s32 @p1 $0x1  }
0x15: {  	[smem:$0x3FB7] =	sst s0;
	s0 =	simm.s32 @!p2 $0x0  }
0x16: {  	s3 =	sld [smem:$0x3FDB];
	s0 =	simm.s32 @p2 $0x1  }
0x17: {  	s4 =	simm.s32 $0x1BF5;
	[smem:$0x3FB9] =	sst s0  }
0x18: {  	s0 =	sld [smem:$0x3F9C];
	_ =	swait.ge [sflag:s4], $0x0  }
0x19: {  	s7 =	sld [smem:$0x3F9D]  }
0x1a: {  	s8 =	sadd.s32 $0xFFFFE003, lr  }
0x1b: {  	s9 =	sadd.s32 $0xFFFFFEF7, lr;
	s5 =	simm.s32 $0xFFFFFFFF;
	p2 =	slt.u32 s8, $0xFFFFF086  }
0x1c: {  	p1 =	slt.u32 s9, $0xF7A;
	s5 =	simm.s32 @!p2 $0x0  }
0x1d: {  	s5 =	simm.s32 @p1 $0x1;
	p0 =	seq.s32 s7, s2  }
0x1e: {  	s7 =	smul.u32 @!p0 $0xF7A, s2;
	p2 =	seq.s32 @!p0 s5, $0x0  }
0x1f: {  	s9 =	smul.u32 $0xF7A, s1;
	s8 =	simm.s32 @!p0 $0x1BF5;
	p2 =	por !p2, p0  }
0x20: {  	[sflag:s8] =	ssyncset.s32 @!p0 $0xFFFFF086;
	s6 =	sadd.s32 @!p0 s3, s7;
	s7 =	simm.s32 @!p0 $0x108  }
0x21: {  	s3 =	sadd.s32 s3, s9;
	s6 =	sadd.s32 @!p0 $0x88, s6;
	s7 =	simm.s32 @p2 $0x1082  }
0x22: {  	[simem:s7], [sflag:s8] =	dma.local @!p0 [hbm:s6], $0xF7A  }
0x23: {  	s9 =	sor.u32 $0xD0000000, s2;
	s6 =	simm.s32 $0x108;
	_ =	swait.ge @!p0 [sflag:s8], $0x0  }
0x24: {  	s3 =	sadd.s32 $0x88, s3;
	s6 =	simm.s32 @!p1 $0x1082;
	[sflag:s4] =	ssyncset.s32 $0xFFFFF086  }
0x25: {  	[simem:s6], [sflag:s4] =	dma.local [hbm:s3], $0xF7A  }
0x26: {  	[smem:$0x3F9D] =	sst s1;
	(tag) =	ssettag s2;
	_ =	strace s9  }
0x27: {  	s1 =	sld [smem:$0x3FAD]  }
0x28: {  	s2 =	sld [smem:$0x3FAE]  }
0x29: {  	s4 =	sld [smem:$0x3FB0]  }
0x2a: {  	p0 =	seq.s32 s5, $0x0;
	s5 =	sld [smem:$0x3FB1]  }
0x2b: {  	s6 =	sld [smem:$0x3FB2]  }
0x2c: {  	s7 =	sld [smem:$0x3FB3]  }
0x2d: {  	s3 =	simm.s32 $0x108;
	s8 =	sld [smem:$0x3FB4]  }
0x2e: {  	s3 =	simm.s32 @!p0 $0x1082;
	s9 =	sld [smem:$0x3FB5]  }
0x2f: {  	lr =	sadd.s32 s0, s3;
	s0 =	sld [smem:$0x3FAC]  }
0x30: {  	s3 =	sld [smem:$0x3FAF]  }
0x31: {  	[smem:$0x3FB8] =	sst s10  }
0x32: {  	s10 =	sld [smem:$0x3FB6];
	_ =	sdelay $0x3  }
0x33: {  	p0 =	seq.s32 s10, $0x1;
	s10 =	sld [smem:$0x3FB8];
	_ =	sdelay $0x3  }
0x34: {  	[smem:$0x3FB8] =	sst s10  }
0x35: {  	s10 =	sld [smem:$0x3FB7];
	_ =	sdelay $0x3  }
0x36: {  	p1 =	seq.s32 s10, $0x1;
	s10 =	sld [smem:$0x3FB8];
	_ =	sdelay $0x3  }
0x37: {  	[smem:$0x3FB8] =	sst s10  }
0x38: {  	s10 =	sld [smem:$0x3FB9]  }
0x39: {  	_ = 	snop;
	(pc) =	sbr.ind lr, $3  }
0x3a: {  	_ = 	snop  }
0x3b: {  	_ = 	snop  }
0x3c: {  	p2 =	seq.s32 s10, $0x1;
	s10 =	sld [smem:$0x3FB8]  }
0x3d: {  	_ =	shalt  }
0x3e: {  	_ =	shalt  }
0x3f: {  	_ =	shalt  }
0x40: {  	_ =	shalt  }
0x41: {  	_ =	shalt  }
0x42: {  	_ =	shalt  }
0x43: {  	_ =	shalt  }
0x44: {  	_ =	shalt  }
0x45: {  	_ =	shalt  }
0x46: {  	_ =	shalt  }
0x47: {  	_ =	shalt  }
0x48: {  	_ =	shalt  }
0x49: {  	_ =	shalt  }
0x4a: {  	_ =	shalt  }
0x4b: {  	_ =	shalt  }
0x4c: {  	_ =	shalt  }
0x4d: {  	_ =	shalt  }
0x4e: {  	_ =	shalt  }
0x4f: {  	_ =	shalt  }
0x50: {  	_ =	shalt  }
0x51: {  	_ =	shalt  }
0x52: {  	_ =	shalt  }
0x53: {  	_ =	shalt  }
0x54: {  	_ =	shalt  }
0x55: {  	_ =	shalt  }
0x56: {  	_ =	shalt  }
0x57: {  	_ =	shalt  }
0x58: {  	_ =	shalt  }
0x59: {  	_ =	shalt  }
0x5a: {  	_ =	shalt  }
0x5b: {  	_ =	shalt  }
0x5c: {  	_ =	shalt  }
0x5d: {  	_ =	shalt  }
0x5e: {  	_ =	shalt  }
0x5f: {  	_ =	shalt  }
0x60: {  	_ =	shalt  }
0x61: {  	_ =	shalt  }
0x62: {  	_ =	shalt  }
0x63: {  	_ =	shalt  }
0x64: {  	_ =	shalt  }
0x65: {  	_ =	shalt  }
0x66: {  	_ =	shalt  }
0x67: {  	_ =	shalt  }
0x68: {  	_ =	shalt  }
0x69: {  	_ =	shalt  }
0x6a: {  	_ =	shalt  }
0x6b: {  	_ =	shalt  }
0x6c: {  	_ =	shalt  }
0x6d: {  	_ =	shalt  }
0x6e: {  	_ =	shalt  }
0x6f: {  	_ =	shalt  }
0x70: {  	_ =	shalt  }
0x71: {  	_ =	shalt  }
0x72: {  	_ =	shalt  }
0x73: {  	_ =	shalt  }
0x74: {  	_ =	shalt  }
0x75: {  	_ =	shalt  }
0x76: {  	_ =	shalt  }
0x77: {  	_ =	shalt  }
0x78: {  	_ =	shalt  }
0x79: {  	_ =	shalt  }
0x7a: {  	_ =	shalt  }
0x7b: {  	_ =	shalt  }
0x7c: {  	_ =	shalt  }
0x7d: {  	_ =	shalt  }
0x7e: {  	_ =	shalt  }
0x7f: {  	_ =	shalt  }
0x80: {  	_ =	shalt  }
0x81: {  	_ =	shalt  }
0x82: {  	_ =	shalt  }
0x83: {  	_ =	shalt  }
0x84: {  	_ =	shalt  }
0x85: {  	_ =	shalt  }
0x86: {  	_ =	shalt  }
0x87: {  	_ =	shalt  }
.Lfunc_end0:
.L_simem_size_0:
called_computation_lowered:
.L_overlay_start_0:
0x88: {  	s2 =	sld [smem:$0x3FD9]  }
0x89: {  	s3 =	sld [smem:$0x3FFE];
	_ =	sdelay $0x1  }
0x8a: {  	s1 =	srdreg.scid  }
0x8b: {  	s0 =	sand.u32 $0x1, s1  }
0x8c: {  	s16 =	sshll.u32 s0, $0xA;
	s2 =	sadd.s32 s3, s2  }
0x8d: {  	s2 =	sadd.s32 s2, s16  }
0x8e: {  	[smem:$0x3FC4] =	sst s2  }
0x8f: {  	_ = 	snop  }
0x90: {  	(tm) =	ssettm $0x1  }
0x91: {  	s17 =	sld [smem:$0x3FFB];
	_ =	sdelay $0x3  }
0x92: {  	_ =	strace s17  }
0x93: {  	s2 =	sld [smem:$0x3FFC];
	_ =	sdelay $0x3  }
0x94: {  	_ =	strace s2  }
0x95: {  	s2 =	sld [smem:$0x3FFD];
	_ =	sdelay $0x3  }
0x96: {  	_ =	strace s2  }
0x97: {  	_ =	strace $0x8FFFFFFF  }
0x98: {  	s18 =	sld [smem:$0x3FDB];
	_ =	sdelay $0x1  }
0x99: {  	s19 =	simm.s32 $_scs_section_size  }
0x9a: {  	s4 =	simm.s32 $_size__tile_overlayer_lowered;
	s5 =	simm.s32 $_tile_overlayer_lowered  }
0x9b: {  	s22 =	simm.s32 $0x1BFF;
	s21 =	sshll.u32 s5, $0x1;
	s2 =	sadd.s32 s19, s18  }
0x9c: {  	s6 =	simm.s32 $0x0;
	s20 =	sshll.u32 s4, $0x1;
	s4 =	sadd.s32 s21, s2  }
0x9d: {  	[timem:s6], [sflag:s22] =	dma.local [hbm:s4], s20  }
0x9e: {  	_ =	swait.ge [sflag:s22], s20  }
0x9f: {  	s3 =	ssub.s32 $0x0, s20;
	[sflag:s22] =	ssyncset.done $0x0  }
0xa0: {  	[sflag:s22] =	ssyncadd.s32 s3;
	_ =	sdelay $0x1  }
0xa1: {  	s23 =	simm.s32 $0x1B8B  }
0xa2: {  	_ =	swait.ge [sflag:s23], $0x1  }
0xa3: {  	[sflag:s23] =	ssyncset.done $0x0  }
0xa4: {  	s25 =	simm.s32 $0x1B8E;
	s24 =	sld [smem:$0x3FFE];
	[sflag:s23] =	ssyncadd.s32 $0xFFFFFFFF  }
0xa5: {  	s26 =	simm.s32 $execute0_lowered;
	[smem:$0x3FD2] =	sst s25  }
0xa6: {  	s4 =	sshll.u32 s26, $0x1;
	_ =	strace $0x80000046;
	[dreg:$0x1] =	wrdreg $0xFFFFFFFF  }
0xa7: {  	s28 =	simm.s32 $_size_execute0_lowered;
	s2 =	sadd.s32 s2, s4;
	[dreg:$0x0] =	wrdreg $0x0  }
0xa8: {  	s4 =	sshll.u32 s28, $0x1;
	[dreg:$0x2] =	wrdreg s2  }
0xa9: {  	[dreg:$0x3] =	wrdreg s4  }
0xaa: {  	[dreg:$0x4] =	wrdreg $0xC0  }
0xab: {  	_ =	task [dreg:s6], $0x5FFFF  }
0xac: {  	[dreg:$0x1] =	wrdreg $0xFFFFFFFF  }
0xad: {  	[dreg:$0x0] =	wrdreg $0x60  }
0xae: {  	[dreg:$0x2] =	wrdreg s24  }
0xaf: {  	[dreg:$0x3] =	wrdreg $0x0  }
0xb0: {  	[dreg:$0x4] =	wrdreg $0x9  }
0xb1: {  	_ =	task.clear_ibuf [dreg:s6], $0x5FFFF;
	_ =	strace $0x90000046  }
0xb2: {  	s29 =	simm.s32 $0x9;
	_ =	strace $0x80000048  }
0xb3: {  	_ =	swait.ge [sflag:s29], $0x1  }
0xb4: {  	[sflag:s29] =	ssyncadd.s32 $0xFFFFFFFF  }
0xb5: {  	_ =	strace $0x90000048  }
0xb6: {  	_ =	sfence  }
0xb7: {  	s30 =	sld [smem:$0x0];
	_ =	sdelay $0x2  }
0xb8: {  	s31 =	sshll.u32 s1, $0xD;
	s1 =	sshrl.u32 s1, $0x2  }
0xb9: {  	s3 =	sand.u32 $0x4000, s31;
	s1 =	sadd.s32 s1, s30  }
0xba: {  	s0 =	sor.u32 s3, s0;
	s1 =	sshll.u32 s1, $0x11  }
0xbb: {  	s0 =	sor.u32 s1, s0  }
0xbc: {  	s0 =	sadd.s32 $0x8F2B, s0  }
0xbd: {  	[sflag:s0] =	ssyncadd.remote.s32 $0x1  }
0xbe: {  	_ =	sfence.sel $0xFFFF  }
0xbf: {  	[dreg:$0x0] =	wrdreg $0xFFFFFFFF;
	(pc) =	sbr.abs _section_cstart, $3  }
0xc0: {  	[dreg:$0x1] =	wrdreg $0xFFFFFFFF  }
0xc1: {  	_ =	task.clear_ibuf [dreg:s6], $0x2FFFF;
	_ =	strace $0x9FFFFFFF  }
0xc2: {  	(tm) =	ssettm $0x7FFFFFFF  }
0xc3: {  	_ =	shalt  }
tec
execute0_lowered:
.L_overlay_start_1:
0x0: {  	(tag) =	ssettag $0x1  }
0x1: {  	s6 =	rddreg [dreg:$0x0]  }
0x2: {  	s2 =	rddreg [dreg:$0x1]  }
0x3: {  	s0 =	rddreg [dreg:$0x2]  }
0x4: {  	s3 =	simm.s32 $0x0;
	s1 =	stileid.u32;
	s4 =	srdreg.scid  }
0x5: {  	s10 =	simm.s32 $0x14200;
	s11 =	simm.s32 $0x1;
	s12 =	simm.s32 $0x50  }
0x6: {  	s13 =	simm.s32 $0x4280;
	s16 =	simm.s32 $0x0;
	[smem:$0x7FF] =	sst s3  }
0x7: {  	s5 =	sshll.u32 s1, $0xB;
	s4 =	sand.u32 $0x1, s4;
	s30 =	smul.u32 $0x280, s1  }
0x8: {  	s14 =	sshll.u32 s1, $0x6;
	s5 =	sadd.s32 s5, s6;
	s7 =	ssub.s32 $0x2, s4  }
0x9: {  	s8 =	sshll.u32 s4, $0xF;
	_ =	strace $0x80000047;
	p0 =	seq.s32 s4, $0x1  }
0xa: {  	s14 =	sor.u32 $0x1C02, s14;
	s9 =	sshrl.u32 s7, $0x1;
	s5 =	sadd.s32 s8, s5  }
0xb: {  	s10 =	simm.s32 @!p0 $0x13C00;
	s8 =	sshrl.u32 s30, $0x3;
	s7 =	ssub.s32 s7, s9  }
0xc: {  	s4 =	sadd.s32 $0x3C00, s5;
	s5 =	sadd.s32 s30, s2;
	s31 =	sadd.s32 s10, s6  }
0xd: {  	s9 =	simm.s32 $0x4300;
	s10 =	simm.s32 $0x2;
	s6 =	smax.u32 s7, $0x1  }
0xe: {  	v0 =	vimm.f32 $0.0e+00;
	v1 =	vimm.f32 $1.000000000e+00;
	s7 =	sadd.s32 s31, s8;
	s8 =	simm.s32 $0x280;
	s15 =	sshrl.u32 s5, $0x3  }
.LBB2_1:
0xf: {  	[tilespmem:s8], [sflag:$0x1] =	stream.linear.gather [hbm4b:s4+s3], $0x3E80, $0x38;
	[tilespmem:$0x4580] =	vst v63  }
0x10: {  	[tilespmem:$0x4300] =	vst v0  }
0x11: {  	[tilespmem:$0x4310] =	vst v0  }
0x12: {  	[tilespmem:$0x4320] =	vst v0  }
0x13: {  	[tilespmem:$0x4330] =	vst v0  }
0x14: {  	[tilespmem:$0x4340] =	vst v0  }
0x15: {  	[tilespmem:$0x4350] =	vst v0  }
0x16: {  	[tilespmem:$0x4360] =	vst v0  }
0x17: {  	[tilespmem:$0x4370] =	vst v0  }
0x18: {  	[tilespmem:$0x4380] =	vst v0  }
0x19: {  	[tilespmem:$0x4390] =	vst v0  }
0x1a: {  	[tilespmem:$0x43A0] =	vst v0  }
0x1b: {  	[tilespmem:$0x43B0] =	vst v0  }
0x1c: {  	[tilespmem:$0x43C0] =	vst v0  }
0x1d: {  	[tilespmem:$0x43D0] =	vst v0  }
0x1e: {  	[tilespmem:$0x43E0] =	vst v0  }
0x1f: {  	[tilespmem:$0x43F0] =	vst v0  }
0x20: {  	[tilespmem:$0x4400] =	vst v0  }
0x21: {  	[tilespmem:$0x4410] =	vst v0  }
0x22: {  	[tilespmem:$0x4420] =	vst v0  }
0x23: {  	[tilespmem:$0x4430] =	vst v0  }
0x24: {  	[tilespmem:$0x4440] =	vst v0  }
0x25: {  	[tilespmem:$0x4450] =	vst v0  }
0x26: {  	[tilespmem:$0x4460] =	vst v0  }
0x27: {  	[tilespmem:$0x4470] =	vst v0  }
0x28: {  	[tilespmem:$0x4480] =	vst v0  }
0x29: {  	[tilespmem:$0x4490] =	vst v0  }
0x2a: {  	[tilespmem:$0x44A0] =	vst v0  }
0x2b: {  	[tilespmem:$0x44B0] =	vst v0  }
0x2c: {  	[tilespmem:$0x44C0] =	vst v0  }
0x2d: {  	[tilespmem:$0x44D0] =	vst v0  }
0x2e: {  	[tilespmem:$0x44E0] =	vst v0  }
0x2f: {  	[tilespmem:$0x44F0] =	vst v0  }
0x30: {  	[tilespmem:$0x4500] =	vst v0  }
0x31: {  	[tilespmem:$0x4510] =	vst v0  }
0x32: {  	[tilespmem:$0x4520] =	vst v0  }
0x33: {  	[tilespmem:$0x4530] =	vst v0  }
0x34: {  	[tilespmem:$0x4540] =	vst v0  }
0x35: {  	[tilespmem:$0x4550] =	vst v0  }
0x36: {  	[tilespmem:$0x4560] =	vst v0  }
0x37: {  	[tilespmem:$0x4570] =	vst v0  }
0x38: {  	[tilespmem:$0x4280] =	vst v1  }
0x39: {  	[tilespmem:$0x4290] =	vst v1  }
0x3a: {  	[tilespmem:$0x42A0] =	vst v1  }
0x3b: {  	[tilespmem:$0x42B0] =	vst v1  }
0x3c: {  	[tilespmem:$0x42C0] =	vst v1  }
0x3d: {  	[spmem:s5] =	stream.linear.scatter [tilespmem:s9], [sflag:$0x2], $0x280, $0x38;
	[tilespmem:$0x4580] =	vst v63  }
0x3e: {  	_ =	swait.ge [sflag:s10], $0x280  }
0x3f: {  	[sflag:s10] =	ssyncset.done $0x0  }
0x40: {  	[sflag:s10] =	ssyncadd.s32 $0xFFFFFD80  }
0x41: {  	_ =	swait.ge [sflag:s11], $0x3E80  }
0x42: {  	[sflag:s11] =	ssyncset.done $0x0  }
0x43: {  	[sflag:s11] =	ssyncadd.s32 $0xFFFFC180  }
0x44: {  	s17 =	simm.s32 $0x280;
	[bflag:$0x0] =	sbarrier.arrive $0xFFFF  }
0x45: {  	[spmem:s2] =	stream.indirect.scatter.add.f32 [tilespmem:s13], [sflag:$0x2], $0x1, s17, s12, $0xb8;
	[tilespmem:$0x4580] =	vst v63  }
0x46: {  	s17 =	simm.s32 $0x200;
	_ =	swait.ge [sflag:s10], $0x50  }
.LBB2_2:
0x47: {  	s18 =	sshra.s32 s17, $0x2;
	[sflag:s10] =	ssyncset.done $0x0;
	p0 =	sne.s32 s17, $0xF800  }
.Ltmp0:
0x48: {  	s18 =	sadd.s32 $0x280, s18;
	[sflag:s10] =	ssyncadd.s32 $0xFFFFFFB0;
	(pc) =	sbr.rel @p0 .LBB2_2-.Ltmp0, $3  }
0x49: {  	[spmem:s2] =	stream.indirect.scatter.add.f32 [tilespmem:s13], [sflag:$0x2], $0x1, s18, s12, $0xb8;
	[tilespmem:$0x4580] =	vst v63  }
0x4a: {  	s17 =	sadd.s32 $0x200, s17;
	_ =	sdelay $0x1  }
0x4b: {  	_ =	swait.ge [sflag:s10], $0x50  }
0x4c: {  	[sflag:s10] =	ssyncset.done $0x0;
	s16 =	sadd.s32 $0x1, s16  }
0x4d: {  	[sflag:s10] =	ssyncadd.s32 $0xFFFFFFB0;
	p0 =	sne.s32 s16, s6  }
.Ltmp1:
0x4e: {  	[bflag:$0x0] =	sbarrier.arrive $0xFFFF;
	(pc) =	sbr.rel @p0 .LBB2_1-.Ltmp1, $4  }
0x4f: {  	[hbm:s7], [sflag:s14] =	dma.local [spmem:s15], $0x50  }
0x50: {  	_ =	swait.ge [sflag:s10], $0x50  }
0x51: {  	[sflag:s10] =	ssyncset.done $0x0  }
0x52: {  	[sflag:s10] =	ssyncadd.s32 $0xFFFFFFB0  }
0x53: {  	_ =	sfence.sel $0x180000  }
0x54: {  	[bflag:$0x0] =	sbarrier.arrive $0xFFFF  }
0x55: {  	p0 =	sne.s32 s1, $0x0;
	_ =	strace $0x90000047  }
0x56: {  	s0 =	sadd.s32 @!p0 $0x100000, s0;
	[bflag:$0x2] =	sbarrier.arrive $0xFFFF  }
0x57: {  	[sflag:s0] =	ssyncadd.tile.s32 @!p0 $0x1;
	_ =	shalt  }
.Lfunc_end2:
_tile_overlayer_lowered:
.L_overlay_start_2:
0x58: {  	(tag) =	ssettag $0x2  }
0x59: {  	s0 =	rddreg [dreg:$0x0];
	s2 =	stileid.u32  }
0x5a: {  	s1 =	rddreg [dreg:$0x1];
	p0 =	sne.s32 s2, $0x0  }
0x5b: {  	s3 =	rddreg [dreg:$0x2];
	[bflag:$0x3] =	sbarrier.arrive $0xFFFF;
	s2 =	simm.s32 @!p0 $0x1C02  }
0x5c: {  	[timem:s3], [sflag:s2] =	dma.local @!p0 [hbm:s0], s1  }
0x5d: {  	s0 =	simm.s32 @!p0 $0x2  }
0x5e: {  	_ =	swait.ge @!p0 [sflag:s0], s1  }
0x5f: {  	s1 =	ssub.s32 @!p0 $0x0, s1;
	[sflag:s0] =	ssyncset.done @!p0 $0x0  }
0x60: {  	[sflag:s0] =	ssyncadd.s32 @!p0 s1  }
0x61: {  	[bflag:$0x3] =	sbarrier.arrive $0xFFFF  }
0x62: {  	_ =	shalt  }

</sc_bundles>
